<compile_context>
chip_gen: v7x
topology: tpu7x:2x2x1
jax: 0.10.2.dev20260603
libtpu: 0.0.44.dev20260713+nightly
codegen_flags: <defaults>
</compile_context>

<pallas_src>
import functools

import jax
import jax.numpy as jnp
from jax.experimental import pallas as pl
from jax.experimental.pallas import tpu as pltpu
from jax.experimental.pallas import tpu_sc as plsc

N = 2048
D = 768
H = 768
E = 8

BE = 256
PADN = 6144
NBLK = PADN // BE
BG = 256
NBG = N // BG
NC, NS = 2, 16
NW = NC * NS
BPW = N // NW


def _top2(logits):
    neg_inf = jnp.float32(-jnp.inf)
    iota = jax.lax.broadcasted_iota(jnp.int32, logits.shape, 1)
    m1 = jnp.max(logits, axis=-1, keepdims=True)
    eq1 = logits == m1
    i1 = jnp.min(jnp.where(eq1, iota, E), axis=-1, keepdims=True)
    first1 = iota == i1
    l2 = jnp.where(first1, neg_inf, logits)
    m2 = jnp.max(l2, axis=-1, keepdims=True)
    eq2 = l2 == m2
    i2 = jnp.min(jnp.where(eq2, iota, E), axis=-1, keepdims=True)
    first2 = iota == i2
    sel = first1 | first2
    wsel = jnp.where(sel, jnp.exp(logits - m1), 0.0)
    wsum = jnp.sum(wsel, axis=-1, keepdims=True)
    return first1, first2, sel, wsel, wsum


def _gate_body(x_ref, wg_ref, bg_ref, d0_ref, d1_ref, w01_ref, eid_ref,
               counts_s, po_s, run_s):
    p = pl.program_id(0)
    i = pl.program_id(1)
    xb = x_ref[...]
    logits = jnp.dot(xb, wg_ref[...], preferred_element_type=jnp.float32)
    logits = logits + bg_ref[...]
    first1, first2, sel, wsel, wsum = _top2(logits)
    sel_f = sel.astype(jnp.float32)

    @pl.when((p == 0) & (i == 0))
    def _():
        counts_s[...] = jnp.zeros((1, E), jnp.float32)

    @pl.when(p == 0)
    def _():
        counts_s[...] += jnp.sum(sel_f, axis=0, keepdims=True)

    @pl.when((p == 1) & (i == 0))
    def _():
        c = counts_s[...]
        cpad = jnp.floor((c + (BE - 1)) / BE) * BE
        lt = (jax.lax.broadcasted_iota(jnp.int32, (E, E), 0)
              < jax.lax.broadcasted_iota(jnp.int32, (E, E), 1)
              ).astype(jnp.bfloat16)
        po_s[...] = jnp.dot(cpad.astype(jnp.bfloat16), lt,
                            preferred_element_type=jnp.float32)
        run_s[...] = jnp.zeros((1, E), jnp.float32)

    @pl.when(p == 1)
    def _():
        po = po_s[...]
        run = run_s[...]
        ltn = (jax.lax.broadcasted_iota(jnp.int32, (BG, BG), 1)
               < jax.lax.broadcasted_iota(jnp.int32, (BG, BG), 0)
               ).astype(jnp.bfloat16)
        pos = run + jnp.dot(ltn, sel_f.astype(jnp.bfloat16),
                            preferred_element_type=jnp.float32)
        run_s[...] = run + jnp.sum(sel_f, axis=0, keepdims=True)
        dest = po + pos
        d0 = jnp.sum(jnp.where(first1, dest, 0.0), axis=-1, keepdims=True)
        d1 = jnp.sum(jnp.where(first2, dest, 0.0), axis=-1, keepdims=True)
        w0 = jnp.sum(jnp.where(first1, wsel, 0.0), axis=-1, keepdims=True) / wsum
        w1 = jnp.sum(jnp.where(first2, wsel, 0.0), axis=-1, keepdims=True) / wsum
        col = jax.lax.broadcasted_iota(jnp.int32, (BG, E), 1)
        d0_ref[...] = jnp.reshape(d0.astype(jnp.int32), (1, BG))
        d1_ref[...] = jnp.reshape(d1.astype(jnp.int32), (1, BG))
        w01_ref[...] = (jnp.where(col == 0, w0, 0.0)
                        + jnp.where(col == 1, w1, 0.0))
        bst = jnp.float32(BE) * jax.lax.broadcasted_iota(
            jnp.int32, (E, NBLK), 1).astype(jnp.float32)
        m = (jnp.reshape(po, (E, 1)) <= bst).astype(jnp.int32)
        eid_ref[...] = jnp.sum(m, axis=0, keepdims=True) - 1


def _gate(x, Wg, bg):
    return pl.pallas_call(
        _gate_body,
        grid=(2, NBG),
        in_specs=[
            pl.BlockSpec((BG, D), lambda p, i: (i, 0)),
            pl.BlockSpec((D, E), lambda p, i: (0, 0)),
            pl.BlockSpec((1, E), lambda p, i: (0, 0)),
        ],
        out_specs=[
            pl.BlockSpec((1, BG), lambda p, i: (0, i)),
            pl.BlockSpec((1, BG), lambda p, i: (0, i)),
            pl.BlockSpec((BG, E), lambda p, i: (i, 0)),
            pl.BlockSpec((1, NBLK), lambda p, i: (0, 0)),
        ],
        out_shape=[
            jax.ShapeDtypeStruct((1, N), jnp.int32),
            jax.ShapeDtypeStruct((1, N), jnp.int32),
            jax.ShapeDtypeStruct((N, E), jnp.float32),
            jax.ShapeDtypeStruct((1, NBLK), jnp.int32),
        ],
        scratch_shapes=[
            pltpu.VMEM((1, E), jnp.float32),
            pltpu.VMEM((1, E), jnp.float32),
            pltpu.VMEM((1, E), jnp.float32),
        ],
    )(x, Wg, bg.reshape(1, E))


def _sc_dispatch(x, d0, d1):
    mesh = plsc.VectorSubcoreMesh(core_axis_name="c", subcore_axis_name="s")

    @functools.partial(
        pl.kernel, mesh=mesh,
        out_type=jax.ShapeDtypeStruct((PADN, D), jnp.float32),
        scratch_types=[
            pltpu.VMEM((BPW,), jnp.int32),
            pltpu.VMEM((BPW,), jnp.int32),
            pltpu.VMEM((BPW, D), jnp.float32),
            pltpu.SemaphoreType.DMA,
        ],
    )
    def disp(x_hbm, d0_hbm, d1_hbm, xr_hbm, i0_v, i1_v, rows_v, sem):
        wid = jax.lax.axis_index("s") * NC + jax.lax.axis_index("c")
        base = wid * BPW
        pltpu.sync_copy(d0_hbm.at[pl.ds(base, BPW)], i0_v)
        pltpu.sync_copy(d1_hbm.at[pl.ds(base, BPW)], i1_v)
        pltpu.sync_copy(x_hbm.at[pl.ds(base, BPW)], rows_v)
        pltpu.async_copy(rows_v, xr_hbm.at[i0_v], sem).wait()
        pltpu.async_copy(rows_v, xr_hbm.at[i1_v], sem).wait()

    return disp(x, d0, d1)


def _sc_gather(y, d0, d1):
    mesh = plsc.VectorSubcoreMesh(core_axis_name="c", subcore_axis_name="s")

    @functools.partial(
        pl.kernel, mesh=mesh,
        out_type=[jax.ShapeDtypeStruct((N, H), jnp.float32),
                  jax.ShapeDtypeStruct((N, H), jnp.float32)],
        scratch_types=[
            pltpu.VMEM((BPW,), jnp.int32),
            pltpu.VMEM((BPW, H), jnp.float32),
            pltpu.SemaphoreType.DMA,
        ],
    )
    def gath(y_hbm, d0_hbm, d1_hbm, o0_hbm, o1_hbm, i_v, rows_v, sem):
        wid = jax.lax.axis_index("s") * NC + jax.lax.axis_index("c")
        base = wid * BPW
        pltpu.sync_copy(d0_hbm.at[pl.ds(base, BPW)], i_v)
        pltpu.async_copy(y_hbm.at[i_v], rows_v, sem).wait()
        pltpu.sync_copy(rows_v, o0_hbm.at[pl.ds(base, BPW)])
        pltpu.sync_copy(d1_hbm.at[pl.ds(base, BPW)], i_v)
        pltpu.async_copy(y_hbm.at[i_v], rows_v, sem).wait()
        pltpu.sync_copy(rows_v, o1_hbm.at[pl.ds(base, BPW)])

    return gath(y, d0, d1)


def _expert_body(eid_ref, xr_ref, w1_ref, b1_ref, g1_ref, be1_ref,
                 w2_ref, b2_ref, y_ref, w1s, w2s):
    i = pl.program_id(0)
    prev = eid_ref[jnp.maximum(i - 1, 0)]

    @pl.when((i == 0) | (eid_ref[i] != prev))
    def _():
        w1s[...] = w1_ref[0].astype(jnp.bfloat16)
        w2s[...] = w2_ref[0].astype(jnp.bfloat16)

    xb16 = xr_ref[...].astype(jnp.bfloat16)
    h = jnp.dot(xb16, w1s[...], preferred_element_type=jnp.float32)
    h = h + b1_ref[0]
    mu = jnp.mean(h, axis=-1, keepdims=True)
    var = jnp.mean((h - mu) ** 2, axis=-1, keepdims=True)
    h = (h - mu) * jax.lax.rsqrt(var + 1e-5)
    h = h * g1_ref[0] + be1_ref[0]
    h = h * 0.5 * (1.0 + jax.lax.erf(h * jnp.float32(0.7071067811865476)))
    y = jnp.dot(h.astype(jnp.bfloat16), w2s[...],
                preferred_element_type=jnp.float32)
    y_ref[...] = y + b2_ref[0]


def _expert(eid, xr, w1b, b1, g1, be1, w2b, b2):
    grid_spec = pltpu.PrefetchScalarGridSpec(
        num_scalar_prefetch=1,
        grid=(NBLK,),
        in_specs=[
            pl.BlockSpec((BE, D), lambda i, eid_ref: (i, 0)),
            pl.BlockSpec((1, D, H), lambda i, eid_ref: (eid_ref[i], 0, 0)),
            pl.BlockSpec((1, 1, H), lambda i, eid_ref: (eid_ref[i], 0, 0)),
            pl.BlockSpec((1, 1, H), lambda i, eid_ref: (eid_ref[i], 0, 0)),
            pl.BlockSpec((1, 1, H), lambda i, eid_ref: (eid_ref[i], 0, 0)),
            pl.BlockSpec((1, D, H), lambda i, eid_ref: (eid_ref[i], 0, 0)),
            pl.BlockSpec((1, 1, H), lambda i, eid_ref: (eid_ref[i], 0, 0)),
        ],
        out_specs=pl.BlockSpec((BE, H), lambda i, eid_ref: (i, 0)),
        scratch_shapes=[
            pltpu.VMEM((D, H), jnp.bfloat16),
            pltpu.VMEM((H, H), jnp.bfloat16),
        ],
    )
    return pl.pallas_call(
        _expert_body,
        grid_spec=grid_spec,
        out_shape=jax.ShapeDtypeStruct((PADN, H), jnp.float32),
    )(eid, xr, w1b, b1.reshape(E, 1, H), g1.reshape(E, 1, H),
      be1.reshape(E, 1, H), w2b, b2.reshape(E, 1, H))


def _combine_body(yg0_ref, yg1_ref, w01_ref, out_ref):
    w = w01_ref[...]
    out_ref[...] = yg0_ref[...] * w[:, 0:1] + yg1_ref[...] * w[:, 1:2]


def _combine(yg0, yg1, w01):
    return pl.pallas_call(
        _combine_body,
        grid=(NBG,),
        in_specs=[
            pl.BlockSpec((BG, H), lambda i: (i, 0)),
            pl.BlockSpec((BG, H), lambda i: (i, 0)),
            pl.BlockSpec((BG, E), lambda i: (i, 0)),
        ],
        out_specs=pl.BlockSpec((BG, H), lambda i: (i, 0)),
        out_shape=jax.ShapeDtypeStruct((N, H), jnp.float32),
    )(yg0, yg1, w01)


def kernel(x, Wg, bg, W1, b1, g1, be1, W2, b2):
    d0m, d1m, w01, eidm = _gate(x, Wg, bg)
    d0 = d0m.reshape(N)
    d1 = d1m.reshape(N)
    xr = _sc_dispatch(x, d0, d1)
    eid = eidm.reshape(NBLK)
    y = _expert(eid, xr, W1, b1, g1, be1, W2, b2)
    yg0, yg1 = _sc_gather(y, d0, d1)
    return _combine(yg0, yg1, w01)

# --- scband reference (transcript-rebuilt; emitter-appended) ---
"""Pipeline reference for scband-uni-graph2-43198781063537 (READ-ONLY COPY).

The authoritative reference and input builder live on the scoring server;
editing this copy changes nothing except your own understanding.
"""

import jax, jax.numpy as jnp
import numpy as np

N = 2048
D = 768
H = 768
E = 8
K = 2


def setup_inputs(seed: int = 0) -> dict:
    key = jax.random.key(seed)
    ks = jax.random.split(key, 8)
    s = 0.02
    return {
        "x": jax.random.normal(ks[0], (N, D), dtype=jnp.float32),
        "Wg": jax.random.normal(ks[1], (D, E), dtype=jnp.float32) * s,
        "bg": jnp.zeros((E,), dtype=jnp.float32),
        "W1": jax.random.normal(ks[2], (E, D, H), dtype=jnp.float32) * s,
        "b1": jnp.zeros((E, H), dtype=jnp.float32),
        "g1": jnp.ones((E, H), dtype=jnp.float32),
        "be1": jnp.zeros((E, H), dtype=jnp.float32),
        "W2": jax.random.normal(ks[3], (E, H, H), dtype=jnp.float32) * s,
        "b2": jnp.zeros((E, H), dtype=jnp.float32),
    }


def _layernorm(x, g, b, eps=1e-5):
    mu = jnp.mean(x, axis=-1, keepdims=True)
    var = jnp.mean((x - mu) ** 2, axis=-1, keepdims=True)
    return (x - mu) / jnp.sqrt(var + eps) * g + b


def reference(x, Wg, bg, W1, b1, g1, be1, W2, b2):
    # gate: Linear(D, E) + softmax
    weights = jax.nn.softmax(x @ Wg + bg, axis=-1)  # [N, E]
    top_w, top_idx = jax.lax.top_k(weights, K)      # [N, K], [N, K]
    top_w = top_w / jnp.sum(top_w, axis=-1, keepdims=True)
    # every expert runs on all tokens (faithful to reference impl)
    h1 = jnp.einsum('nd,edh->enh', x, W1) + b1[:, None, :]          # [E, N, H]
    h1 = _layernorm(h1, g1[:, None, :], be1[:, None, :])
    h1 = jax.nn.gelu(h1, approximate=False)
    eo = jnp.einsum('enh,ehk->enk', h1, W2) + b2[:, None, :]        # [E, N, H]
    eo = jnp.transpose(eo, (1, 0, 2))                               # [N, E, H]
    sel = jnp.take_along_axis(eo, top_idx[:, :, None], axis=1)      # [N, K, H]
    out = jnp.sum(sel * top_w[:, :, None], axis=1)                  # [N, H]
    return out

if __name__ == "__main__":
    import jax
    _d = setup_inputs()
    print(jax.jit(kernel)(*tuple(_d.values())))

</pallas_src>

<mosaic_0001>
#map = affine_map<(d0, d1) -> (0, 0)>
#map1 = affine_map<(d0, d1) -> (0)>
module attributes {stable_mosaic.version = 14 : i64} {
  func.func @gath(%arg0: i32, %arg1: i32, %arg2: memref<6144x768xf32, #tpu.memory_space<hbm>>, %arg3: memref<2048xi32, #tpu.memory_space<hbm>>, %arg4: memref<2048xi32, #tpu.memory_space<hbm>>, %arg5: memref<2048x768xf32, #tpu.memory_space<hbm>>, %arg6: memref<2048x768xf32, #tpu.memory_space<hbm>>, %arg7: memref<64xi32, #tpu.memory_space<vmem>>, %arg8: memref<64x768xf32, #tpu.memory_space<vmem>>, %arg9: memref<!tpu.dma_semaphore, #tpu.memory_space<semaphore_mem>>) attributes {dimension_semantics = [#tpu.dimension_semantics<core_parallel>, #tpu.dimension_semantics<subcore_parallel>], iteration_bounds = array<i64: 2, 16>, scalar_prefetch = 0 : i64, scratch_operands = 3 : i64, tpu.core_type = #tpu.core_type<sc_vector_subcore>, window_params = [{transform_indices = #map}, {transform_indices = #map1}, {transform_indices = #map1}, {transform_indices = #map}, {transform_indices = #map}]} {
    %mul3A = arith.constant 2 : i32
    %mul3A_0 = arith.muli %arg1, %mul3A : i32
    %add3A = arith.addi %mul3A_0, %arg0 : i32
    %mul3A_1 = arith.constant 64 : i32
    %mul3A_2 = arith.muli %add3A, %mul3A_1 : i32
    "tpu.region"() ({
      %run_scoped3A = tpu.sem_alloc : memref<!tpu.dma_semaphore, #tpu.memory_space<semaphore_mem>>
      %dma_start3A_13 = tpu.memref_slice %arg3[%mul3A_2] : memref<2048xi32, #tpu.memory_space<hbm>> -> memref<64xi32, #tpu.memory_space<hbm>>
      %dma_start3A_14 = tpu.memref_slice %arg3[%mul3A_2] : memref<2048xi32, #tpu.memory_space<hbm>> -> memref<64xi32, #tpu.memory_space<hbm>>
      tpu.enqueue_dma source(%dma_start3A_14 : memref<64xi32, #tpu.memory_space<hbm>>) target(%arg7 : memref<64xi32, #tpu.memory_space<vmem>>) target_semaphore(%run_scoped3A : memref<!tpu.dma_semaphore, #tpu.memory_space<semaphore_mem>>)
      %dma_wait3A_15 = tpu.memref_slice %arg3[%mul3A_2] : memref<2048xi32, #tpu.memory_space<hbm>> -> memref<64xi32, #tpu.memory_space<hbm>>
      %dma_wait3A_16 = tpu.memref_slice %arg3[%mul3A_2] : memref<2048xi32, #tpu.memory_space<hbm>> -> memref<64xi32, #tpu.memory_space<hbm>>
      tpu.wait_dma2 semaphore(%run_scoped3A : memref<!tpu.dma_semaphore, #tpu.memory_space<semaphore_mem>>) src(%dma_wait3A_16 : memref<64xi32, #tpu.memory_space<hbm>>) dst(%arg7 : memref<64xi32, #tpu.memory_space<vmem>>)
      tpu.yield
    }) : () -> ()
    %dma_start3A = arith.constant 0 : i32
    %dma_start3A_3 = arith.constant 0 : i32
    %dma_start3A_4 = tpu.memref_slice %arg2[%dma_start3A, %dma_start3A_3] : memref<6144x768xf32, #tpu.memory_space<hbm>> -> memref<6144x768xf32, #tpu.memory_space<hbm>>
    tpu.enqueue_indirect_dma source(%dma_start3A_4 : memref<6144x768xf32, #tpu.memory_space<hbm>>) target(%arg8 : memref<64x768xf32, #tpu.memory_space<vmem>>) offsets(%arg7 : memref<64xi32, #tpu.memory_space<vmem>>) semaphore(%arg9 : memref<!tpu.dma_semaphore, #tpu.memory_space<semaphore_mem>>)
    %dma_wait3A = arith.constant 0 : i32
    %dma_wait3A_5 = arith.constant 0 : i32
    %dma_wait3A_6 = tpu.memref_slice %arg2[%dma_wait3A, %dma_wait3A_5] : memref<6144x768xf32, #tpu.memory_space<hbm>> -> memref<6144x768xf32, #tpu.memory_space<hbm>>
    tpu.wait_indirect_dma semaphore(%arg9 : memref<!tpu.dma_semaphore, #tpu.memory_space<semaphore_mem>>) src(%dma_wait3A_6 : memref<6144x768xf32, #tpu.memory_space<hbm>>) dst(%arg8 : memref<64x768xf32, #tpu.memory_space<vmem>>)
    "tpu.region"() ({
      %run_scoped3A = tpu.sem_alloc : memref<!tpu.dma_semaphore, #tpu.memory_space<semaphore_mem>>
      %dma_start3A_13 = arith.constant 0 : i32
      %dma_start3A_14 = tpu.memref_slice %arg5[%mul3A_2, %dma_start3A_13] : memref<2048x768xf32, #tpu.memory_space<hbm>> -> memref<64x768xf32, #tpu.memory_space<hbm>>
      %dma_start3A_15 = arith.constant 0 : i32
      %dma_start3A_16 = tpu.memref_slice %arg5[%mul3A_2, %dma_start3A_15] : memref<2048x768xf32, #tpu.memory_space<hbm>> -> memref<64x768xf32, #tpu.memory_space<hbm>>
      tpu.enqueue_dma source(%arg8 : memref<64x768xf32, #tpu.memory_space<vmem>>) target(%dma_start3A_16 : memref<64x768xf32, #tpu.memory_space<hbm>>) target_semaphore(%run_scoped3A : memref<!tpu.dma_semaphore, #tpu.memory_space<semaphore_mem>>)
      %dma_wait3A_17 = arith.constant 0 : i32
      %dma_wait3A_18 = tpu.memref_slice %arg5[%mul3A_2, %dma_wait3A_17] : memref<2048x768xf32, #tpu.memory_space<hbm>> -> memref<64x768xf32, #tpu.memory_space<hbm>>
      %dma_wait3A_19 = arith.constant 0 : i32
      %dma_wait3A_20 = tpu.memref_slice %arg5[%mul3A_2, %dma_wait3A_19] : memref<2048x768xf32, #tpu.memory_space<hbm>> -> memref<64x768xf32, #tpu.memory_space<hbm>>
      tpu.wait_dma2 semaphore(%run_scoped3A : memref<!tpu.dma_semaphore, #tpu.memory_space<semaphore_mem>>) src(%arg8 : memref<64x768xf32, #tpu.memory_space<vmem>>) dst(%dma_wait3A_20 : memref<64x768xf32, #tpu.memory_space<hbm>>)
      tpu.yield
    }) : () -> ()
    "tpu.region"() ({
      %run_scoped3A = tpu.sem_alloc : memref<!tpu.dma_semaphore, #tpu.memory_space<semaphore_mem>>
      %dma_start3A_13 = tpu.memref_slice %arg4[%mul3A_2] : memref<2048xi32, #tpu.memory_space<hbm>> -> memref<64xi32, #tpu.memory_space<hbm>>
      %dma_start3A_14 = tpu.memref_slice %arg4[%mul3A_2] : memref<2048xi32, #tpu.memory_space<hbm>> -> memref<64xi32, #tpu.memory_space<hbm>>
      tpu.enqueue_dma source(%dma_start3A_14 : memref<64xi32, #tpu.memory_space<hbm>>) target(%arg7 : memref<64xi32, #tpu.memory_space<vmem>>) target_semaphore(%run_scoped3A : memref<!tpu.dma_semaphore, #tpu.memory_space<semaphore_mem>>)
      %dma_wait3A_15 = tpu.memref_slice %arg4[%mul3A_2] : memref<2048xi32, #tpu.memory_space<hbm>> -> memref<64xi32, #tpu.memory_space<hbm>>
      %dma_wait3A_16 = tpu.memref_slice %arg4[%mul3A_2] : memref<2048xi32, #tpu.memory_space<hbm>> -> memref<64xi32, #tpu.memory_space<hbm>>
      tpu.wait_dma2 semaphore(%run_scoped3A : memref<!tpu.dma_semaphore, #tpu.memory_space<semaphore_mem>>) src(%dma_wait3A_16 : memref<64xi32, #tpu.memory_space<hbm>>) dst(%arg7 : memref<64xi32, #tpu.memory_space<vmem>>)
      tpu.yield
    }) : () -> ()
    %dma_start3A_7 = arith.constant 0 : i32
    %dma_start3A_8 = arith.constant 0 : i32
    %dma_start3A_9 = tpu.memref_slice %arg2[%dma_start3A_7, %dma_start3A_8] : memref<6144x768xf32, #tpu.memory_space<hbm>> -> memref<6144x768xf32, #tpu.memory_space<hbm>>
    tpu.enqueue_indirect_dma source(%dma_start3A_9 : memref<6144x768xf32, #tpu.memory_space<hbm>>) target(%arg8 : memref<64x768xf32, #tpu.memory_space<vmem>>) offsets(%arg7 : memref<64xi32, #tpu.memory_space<vmem>>) semaphore(%arg9 : memref<!tpu.dma_semaphore, #tpu.memory_space<semaphore_mem>>)
    %dma_wait3A_10 = arith.constant 0 : i32
    %dma_wait3A_11 = arith.constant 0 : i32
    %dma_wait3A_12 = tpu.memref_slice %arg2[%dma_wait3A_10, %dma_wait3A_11] : memref<6144x768xf32, #tpu.memory_space<hbm>> -> memref<6144x768xf32, #tpu.memory_space<hbm>>
    tpu.wait_indirect_dma semaphore(%arg9 : memref<!tpu.dma_semaphore, #tpu.memory_space<semaphore_mem>>) src(%dma_wait3A_12 : memref<6144x768xf32, #tpu.memory_space<hbm>>) dst(%arg8 : memref<64x768xf32, #tpu.memory_space<vmem>>)
    "tpu.region"() ({
      %run_scoped3A = tpu.sem_alloc : memref<!tpu.dma_semaphore, #tpu.memory_space<semaphore_mem>>
      %dma_start3A_13 = arith.constant 0 : i32
      %dma_start3A_14 = tpu.memref_slice %arg6[%mul3A_2, %dma_start3A_13] : memref<2048x768xf32, #tpu.memory_space<hbm>> -> memref<64x768xf32, #tpu.memory_space<hbm>>
      %dma_start3A_15 = arith.constant 0 : i32
      %dma_start3A_16 = tpu.memref_slice %arg6[%mul3A_2, %dma_start3A_15] : memref<2048x768xf32, #tpu.memory_space<hbm>> -> memref<64x768xf32, #tpu.memory_space<hbm>>
      tpu.enqueue_dma source(%arg8 : memref<64x768xf32, #tpu.memory_space<vmem>>) target(%dma_start3A_16 : memref<64x768xf32, #tpu.memory_space<hbm>>) target_semaphore(%run_scoped3A : memref<!tpu.dma_semaphore, #tpu.memory_space<semaphore_mem>>)
      %dma_wait3A_17 = arith.constant 0 : i32
      %dma_wait3A_18 = tpu.memref_slice %arg6[%mul3A_2, %dma_wait3A_17] : memref<2048x768xf32, #tpu.memory_space<hbm>> -> memref<64x768xf32, #tpu.memory_space<hbm>>
      %dma_wait3A_19 = arith.constant 0 : i32
      %dma_wait3A_20 = tpu.memref_slice %arg6[%mul3A_2, %dma_wait3A_19] : memref<2048x768xf32, #tpu.memory_space<hbm>> -> memref<64x768xf32, #tpu.memory_space<hbm>>
      tpu.wait_dma2 semaphore(%run_scoped3A : memref<!tpu.dma_semaphore, #tpu.memory_space<semaphore_mem>>) src(%arg8 : memref<64x768xf32, #tpu.memory_space<vmem>>) dst(%dma_wait3A_20 : memref<64x768xf32, #tpu.memory_space<hbm>>)
      tpu.yield
    }) : () -> ()
    return
  }
}

#map = affine_map<(d0, d1) -> (0, 0)>
#map1 = affine_map<(d0, d1) -> (0)>
module attributes {stable_mosaic.version = 14 : i64} {
  func.func @disp(%arg0: i32, %arg1: i32, %arg2: memref<2048x768xf32, #tpu.memory_space<hbm>>, %arg3: memref<2048xi32, #tpu.memory_space<hbm>>, %arg4: memref<2048xi32, #tpu.memory_space<hbm>>, %arg5: memref<6144x768xf32, #tpu.memory_space<hbm>>, %arg6: memref<64xi32, #tpu.memory_space<vmem>>, %arg7: memref<64xi32, #tpu.memory_space<vmem>>, %arg8: memref<64x768xf32, #tpu.memory_space<vmem>>, %arg9: memref<!tpu.dma_semaphore, #tpu.memory_space<semaphore_mem>>) attributes {dimension_semantics = [#tpu.dimension_semantics<core_parallel>, #tpu.dimension_semantics<subcore_parallel>], iteration_bounds = array<i64: 2, 16>, scalar_prefetch = 0 : i64, scratch_operands = 4 : i64, tpu.core_type = #tpu.core_type<sc_vector_subcore>, window_params = [{transform_indices = #map}, {transform_indices = #map1}, {transform_indices = #map1}, {transform_indices = #map}]} {
    %mul3A = arith.constant 2 : i32
    %mul3A_0 = arith.muli %arg1, %mul3A : i32
    %add3A = arith.addi %mul3A_0, %arg0 : i32
    %mul3A_1 = arith.constant 64 : i32
    %mul3A_2 = arith.muli %add3A, %mul3A_1 : i32
    "tpu.region"() ({
      %run_scoped3A = tpu.sem_alloc : memref<!tpu.dma_semaphore, #tpu.memory_space<semaphore_mem>>
      %dma_start3A_13 = tpu.memref_slice %arg3[%mul3A_2] : memref<2048xi32, #tpu.memory_space<hbm>> -> memref<64xi32, #tpu.memory_space<hbm>>
      %dma_start3A_14 = tpu.memref_slice %arg3[%mul3A_2] : memref<2048xi32, #tpu.memory_space<hbm>> -> memref<64xi32, #tpu.memory_space<hbm>>
      tpu.enqueue_dma source(%dma_start3A_14 : memref<64xi32, #tpu.memory_space<hbm>>) target(%arg6 : memref<64xi32, #tpu.memory_space<vmem>>) target_semaphore(%run_scoped3A : memref<!tpu.dma_semaphore, #tpu.memory_space<semaphore_mem>>)
      %dma_wait3A_15 = tpu.memref_slice %arg3[%mul3A_2] : memref<2048xi32, #tpu.memory_space<hbm>> -> memref<64xi32, #tpu.memory_space<hbm>>
      %dma_wait3A_16 = tpu.memref_slice %arg3[%mul3A_2] : memref<2048xi32, #tpu.memory_space<hbm>> -> memref<64xi32, #tpu.memory_space<hbm>>
      tpu.wait_dma2 semaphore(%run_scoped3A : memref<!tpu.dma_semaphore, #tpu.memory_space<semaphore_mem>>) src(%dma_wait3A_16 : memref<64xi32, #tpu.memory_space<hbm>>) dst(%arg6 : memref<64xi32, #tpu.memory_space<vmem>>)
      tpu.yield
    }) : () -> ()
    "tpu.region"() ({
      %run_scoped3A = tpu.sem_alloc : memref<!tpu.dma_semaphore, #tpu.memory_space<semaphore_mem>>
      %dma_start3A_13 = tpu.memref_slice %arg4[%mul3A_2] : memref<2048xi32, #tpu.memory_space<hbm>> -> memref<64xi32, #tpu.memory_space<hbm>>
      %dma_start3A_14 = tpu.memref_slice %arg4[%mul3A_2] : memref<2048xi32, #tpu.memory_space<hbm>> -> memref<64xi32, #tpu.memory_space<hbm>>
      tpu.enqueue_dma source(%dma_start3A_14 : memref<64xi32, #tpu.memory_space<hbm>>) target(%arg7 : memref<64xi32, #tpu.memory_space<vmem>>) target_semaphore(%run_scoped3A : memref<!tpu.dma_semaphore, #tpu.memory_space<semaphore_mem>>)
      %dma_wait3A_15 = tpu.memref_slice %arg4[%mul3A_2] : memref<2048xi32, #tpu.memory_space<hbm>> -> memref<64xi32, #tpu.memory_space<hbm>>
      %dma_wait3A_16 = tpu.memref_slice %arg4[%mul3A_2] : memref<2048xi32, #tpu.memory_space<hbm>> -> memref<64xi32, #tpu.memory_space<hbm>>
      tpu.wait_dma2 semaphore(%run_scoped3A : memref<!tpu.dma_semaphore, #tpu.memory_space<semaphore_mem>>) src(%dma_wait3A_16 : memref<64xi32, #tpu.memory_space<hbm>>) dst(%arg7 : memref<64xi32, #tpu.memory_space<vmem>>)
      tpu.yield
    }) : () -> ()
    "tpu.region"() ({
      %run_scoped3A = tpu.sem_alloc : memref<!tpu.dma_semaphore, #tpu.memory_space<semaphore_mem>>
      %dma_start3A_13 = arith.constant 0 : i32
      %dma_start3A_14 = tpu.memref_slice %arg2[%mul3A_2, %dma_start3A_13] : memref<2048x768xf32, #tpu.memory_space<hbm>> -> memref<64x768xf32, #tpu.memory_space<hbm>>
      %dma_start3A_15 = arith.constant 0 : i32
      %dma_start3A_16 = tpu.memref_slice %arg2[%mul3A_2, %dma_start3A_15] : memref<2048x768xf32, #tpu.memory_space<hbm>> -> memref<64x768xf32, #tpu.memory_space<hbm>>
      tpu.enqueue_dma source(%dma_start3A_16 : memref<64x768xf32, #tpu.memory_space<hbm>>) target(%arg8 : memref<64x768xf32, #tpu.memory_space<vmem>>) target_semaphore(%run_scoped3A : memref<!tpu.dma_semaphore, #tpu.memory_space<semaphore_mem>>)
      %dma_wait3A_17 = arith.constant 0 : i32
      %dma_wait3A_18 = tpu.memref_slice %arg2[%mul3A_2, %dma_wait3A_17] : memref<2048x768xf32, #tpu.memory_space<hbm>> -> memref<64x768xf32, #tpu.memory_space<hbm>>
      %dma_wait3A_19 = arith.constant 0 : i32
      %dma_wait3A_20 = tpu.memref_slice %arg2[%mul3A_2, %dma_wait3A_19] : memref<2048x768xf32, #tpu.memory_space<hbm>> -> memref<64x768xf32, #tpu.memory_space<hbm>>
      tpu.wait_dma2 semaphore(%run_scoped3A : memref<!tpu.dma_semaphore, #tpu.memory_space<semaphore_mem>>) src(%dma_wait3A_20 : memref<64x768xf32, #tpu.memory_space<hbm>>) dst(%arg8 : memref<64x768xf32, #tpu.memory_space<vmem>>)
      tpu.yield
    }) : () -> ()
    %dma_start3A = arith.constant 0 : i32
    %dma_start3A_3 = arith.constant 0 : i32
    %dma_start3A_4 = tpu.memref_slice %arg5[%dma_start3A, %dma_start3A_3] : memref<6144x768xf32, #tpu.memory_space<hbm>> -> memref<6144x768xf32, #tpu.memory_space<hbm>>
    tpu.enqueue_indirect_dma source(%arg8 : memref<64x768xf32, #tpu.memory_space<vmem>>) target(%dma_start3A_4 : memref<6144x768xf32, #tpu.memory_space<hbm>>) offsets(%arg6 : memref<64xi32, #tpu.memory_space<vmem>>) semaphore(%arg9 : memref<!tpu.dma_semaphore, #tpu.memory_space<semaphore_mem>>)
    %dma_wait3A = arith.constant 0 : i32
    %dma_wait3A_5 = arith.constant 0 : i32
    %dma_wait3A_6 = tpu.memref_slice %arg5[%dma_wait3A, %dma_wait3A_5] : memref<6144x768xf32, #tpu.memory_space<hbm>> -> memref<6144x768xf32, #tpu.memory_space<hbm>>
    tpu.wait_indirect_dma semaphore(%arg9 : memref<!tpu.dma_semaphore, #tpu.memory_space<semaphore_mem>>) src(%arg8 : memref<64x768xf32, #tpu.memory_space<vmem>>) dst(%dma_wait3A_6 : memref<6144x768xf32, #tpu.memory_space<hbm>>)
    %dma_start3A_7 = arith.constant 0 : i32
    %dma_start3A_8 = arith.constant 0 : i32
    %dma_start3A_9 = tpu.memref_slice %arg5[%dma_start3A_7, %dma_start3A_8] : memref<6144x768xf32, #tpu.memory_space<hbm>> -> memref<6144x768xf32, #tpu.memory_space<hbm>>
    tpu.enqueue_indirect_dma source(%arg8 : memref<64x768xf32, #tpu.memory_space<vmem>>) target(%dma_start3A_9 : memref<6144x768xf32, #tpu.memory_space<hbm>>) offsets(%arg7 : memref<64xi32, #tpu.memory_space<vmem>>) semaphore(%arg9 : memref<!tpu.dma_semaphore, #tpu.memory_space<semaphore_mem>>)
    %dma_wait3A_10 = arith.constant 0 : i32
    %dma_wait3A_11 = arith.constant 0 : i32
    %dma_wait3A_12 = tpu.memref_slice %arg5[%dma_wait3A_10, %dma_wait3A_11] : memref<6144x768xf32, #tpu.memory_space<hbm>> -> memref<6144x768xf32, #tpu.memory_space<hbm>>
    tpu.wait_indirect_dma semaphore(%arg9 : memref<!tpu.dma_semaphore, #tpu.memory_space<semaphore_mem>>) src(%arg8 : memref<64x768xf32, #tpu.memory_space<vmem>>) dst(%dma_wait3A_12 : memref<6144x768xf32, #tpu.memory_space<hbm>>)
    return
  }
}

module attributes {stable_mosaic.version = 14 : i64} {
  func.func @_expert_body(%arg0: i32, %arg1: memref<24xi32, #tpu.memory_space<smem>>, %arg2: memref<256x768xf32, #tpu.memory_space<vmem>>, %arg3: memref<1x768x768xf32, #tpu.memory_space<vmem>>, %arg4: memref<1x1x768xf32, #tpu.memory_space<vmem>>, %arg5: memref<1x1x768xf32, #tpu.memory_space<vmem>>, %arg6: memref<1x1x768xf32, #tpu.memory_space<vmem>>, %arg7: memref<1x768x768xf32, #tpu.memory_space<vmem>>, %arg8: memref<1x1x768xf32, #tpu.memory_space<vmem>>, %arg9: memref<256x768xf32, #tpu.memory_space<vmem>>, %arg10: memref<768x768xbf16, #tpu.memory_space<vmem>>, %arg11: memref<768x768xbf16, #tpu.memory_space<vmem>>) attributes {dimension_semantics = [#tpu.dimension_semantics<arbitrary>], iteration_bounds = array<i64: 24>, scalar_prefetch = 1 : i64, scratch_operands = 2 : i64, tpu.core_type = #tpu.core_type<tc>, window_params = [{transform_indices = @transform_0, window_bounds = array<i64: 256, 768>}, {transform_indices = @transform_1, window_bounds = array<i64: 1, 768, 768>}, {transform_indices = @transform_2, window_bounds = array<i64: 1, 1, 768>}, {transform_indices = @transform_3, window_bounds = array<i64: 1, 1, 768>}, {transform_indices = @transform_4, window_bounds = array<i64: 1, 1, 768>}, {transform_indices = @transform_5, window_bounds = array<i64: 1, 768, 768>}, {transform_indices = @transform_6, window_bounds = array<i64: 1, 1, 768>}, {transform_indices = @transform_7, window_bounds = array<i64: 256, 768>}]} {
    %sub3A = arith.constant 1 : i32
    %sub3A_0 = arith.subi %arg0, %sub3A : i32
    %max3A = arith.constant 0 : i32
    %max3A_1 = arith.maxsi %sub3A_0, %max3A : i32
    %get3A = arith.index_cast %max3A_1 : i32 to index
    %get3A_2 = memref.load %arg1[%get3A] : memref<24xi32, #tpu.memory_space<smem>>
    %eq3A = arith.constant 0 : i32
    %eq3A_3 = arith.cmpi eq, %arg0, %eq3A : i32
    %get3A_4 = arith.index_cast %arg0 : i32 to index
    %get3A_5 = memref.load %arg1[%get3A_4] : memref<24xi32, #tpu.memory_space<smem>>
    %ne3A = arith.cmpi ne, %get3A_5, %get3A_2 : i32
    %or3A = arith.ori %eq3A_3, %ne3A : i1
    %convert_element_type3A = arith.extui %or3A : i1 to i32
    %cond3A = arith.constant 0 : i32
    %cond3A_6 = arith.cmpi ne, %convert_element_type3A, %cond3A : i32
    scf.if %cond3A_6 {
      %get3A_77 = arith.constant 0 : index
      %get3A_78 = arith.constant 0 : index
      %get3A_79 = arith.constant 0 : index
      %get3A_80 = vector.load %arg3[%get3A_77, %get3A_78, %get3A_79] : memref<1x768x768xf32, #tpu.memory_space<vmem>>, vector<1x768x768xf32>
      %get3A_81 = vector.shape_cast %get3A_80 : vector<1x768x768xf32> to vector<768x768xf32>
      %convert_element_type3A_82 = arith.truncf %get3A_81 : vector<768x768xf32> to vector<768x768xbf16>
      %swap3A_83 = arith.constant 0 : index
      %swap3A_84 = arith.constant 0 : index
      %swap3A_85 = vector.load %arg10[%swap3A_83, %swap3A_84] : memref<768x768xbf16, #tpu.memory_space<vmem>>, vector<768x768xbf16>
      tpu.vector_store %arg10[%swap3A_83, %swap3A_84], %convert_element_type3A_82 {strides = array<i32>} : memref<768x768xbf16, #tpu.memory_space<vmem>>, vector<768x768xbf16>,
      %get3A_86 = arith.constant 0 : index
      %get3A_87 = arith.constant 0 : index
      %get3A_88 = arith.constant 0 : index
      %get3A_89 = vector.load %arg7[%get3A_86, %get3A_87, %get3A_88] : memref<1x768x768xf32, #tpu.memory_space<vmem>>, vector<1x768x768xf32>
      %get3A_90 = vector.shape_cast %get3A_89 : vector<1x768x768xf32> to vector<768x768xf32>
      %convert_element_type3A_91 = arith.truncf %get3A_90 : vector<768x768xf32> to vector<768x768xbf16>
      %swap3A_92 = arith.constant 0 : index
      %swap3A_93 = arith.constant 0 : index
      %swap3A_94 = vector.load %arg11[%swap3A_92, %swap3A_93] : memref<768x768xbf16, #tpu.memory_space<vmem>>, vector<768x768xbf16>
      tpu.vector_store %arg11[%swap3A_92, %swap3A_93], %convert_element_type3A_91 {strides = array<i32>} : memref<768x768xbf16, #tpu.memory_space<vmem>>, vector<768x768xbf16>,
    } else {
    }
    %get3A_7 = arith.constant 0 : index
    %get3A_8 = arith.constant 0 : index
    %get3A_9 = vector.load %arg2[%get3A_7, %get3A_8] : memref<256x768xf32, #tpu.memory_space<vmem>>, vector<256x768xf32>
    %convert_element_type3A_10 = arith.truncf %get3A_9 : vector<256x768xf32> to vector<256x768xbf16>
    %get3A_11 = arith.constant 0 : index
    %get3A_12 = arith.constant 0 : index
    %get3A_13 = vector.load %arg10[%get3A_11, %get3A_12] : memref<768x768xbf16, #tpu.memory_space<vmem>>, vector<768x768xbf16>
    %dot_general3A = arith.constant dense<0.000000e+00> : vector<256x768xf32>
    %dot_general3A_14 = tpu.matmul %convert_element_type3A_10, %get3A_13, %dot_general3A {dimension_numbers = #tpu.dot_dimension_numbers<[1], [0], [0], [1], [0, 0, 1, 1], [], []>, transpose_lhs_hint = false} : vector<256x768xbf16>, vector<768x768xbf16>, vector<256x768xf32> -> vector<256x768xf32>
    %get3A_15 = arith.constant 0 : index
    %get3A_16 = arith.constant 0 : index
    %get3A_17 = arith.constant 0 : index
    %get3A_18 = vector.load %arg4[%get3A_15, %get3A_16, %get3A_17] : memref<1x1x768xf32, #tpu.memory_space<vmem>>, vector<1x1x768xf32>
    %get3A_19 = vector.shape_cast %get3A_18 : vector<1x1x768xf32> to vector<1x768xf32>
    %add3A = vector.broadcast %get3A_19 : vector<1x768xf32> to vector<256x768xf32>
    %add3A_20 = arith.addf %dot_general3A_14, %add3A : vector<256x768xf32>
    %reduce_sum3A = arith.constant dense<0.000000e+00> : vector<256xf32>
    %reduce_sum3A_21 = vector.multi_reduction <add>, %add3A_20, %reduce_sum3A [1] : vector<256x768xf32> to vector<256xf32>
    %broadcast_in_dim3A = vector.shape_cast %reduce_sum3A_21 : vector<256xf32> to vector<256x1xf32>
    %div3A = arith.constant 7.680000e+02 : f32
    %div3A_22 = vector.broadcast %div3A : f32 to vector<256x1xf32>
    %div3A_23 = arith.divf %broadcast_in_dim3A, %div3A_22 : vector<256x1xf32>
    %sub3A_24 = vector.broadcast %div3A_23 : vector<256x1xf32> to vector<256x768xf32>
    %sub3A_25 = arith.subf %add3A_20, %sub3A_24 : vector<256x768xf32>
    %integer_pow3A = arith.mulf %sub3A_25, %sub3A_25 : vector<256x768xf32>
    %reduce_sum3A_26 = arith.constant dense<0.000000e+00> : vector<256xf32>
    %reduce_sum3A_27 = vector.multi_reduction <add>, %integer_pow3A, %reduce_sum3A_26 [1] : vector<256x768xf32> to vector<256xf32>
    %broadcast_in_dim3A_28 = vector.shape_cast %reduce_sum3A_27 : vector<256xf32> to vector<256x1xf32>
    %div3A_29 = arith.constant 7.680000e+02 : f32
    %div3A_30 = vector.broadcast %div3A_29 : f32 to vector<256x1xf32>
    %div3A_31 = arith.divf %broadcast_in_dim3A_28, %div3A_30 : vector<256x1xf32>
    %sub3A_32 = vector.broadcast %div3A_23 : vector<256x1xf32> to vector<256x768xf32>
    %sub3A_33 = arith.subf %add3A_20, %sub3A_32 : vector<256x768xf32>
    %add3A_34 = arith.constant 9.99999974E-6 : f32
    %add3A_35 = vector.broadcast %add3A_34 : f32 to vector<256x1xf32>
    %add3A_36 = arith.addf %div3A_31, %add3A_35 : vector<256x1xf32>
    %rsqrt3A = math.rsqrt %add3A_36 : vector<256x1xf32>
    %mul3A = vector.broadcast %rsqrt3A : vector<256x1xf32> to vector<256x768xf32>
    %mul3A_37 = arith.mulf %sub3A_33, %mul3A : vector<256x768xf32>
    %get3A_38 = arith.constant 0 : index
    %get3A_39 = arith.constant 0 : index
    %get3A_40 = arith.constant 0 : index
    %get3A_41 = vector.load %arg5[%get3A_38, %get3A_39, %get3A_40] : memref<1x1x768xf32, #tpu.memory_space<vmem>>, vector<1x1x768xf32>
    %get3A_42 = vector.shape_cast %get3A_41 : vector<1x1x768xf32> to vector<1x768xf32>
    %mul3A_43 = vector.broadcast %get3A_42 : vector<1x768xf32> to vector<256x768xf32>
    %mul3A_44 = arith.mulf %mul3A_37, %mul3A_43 : vector<256x768xf32>
    %get3A_45 = arith.constant 0 : index
    %get3A_46 = arith.constant 0 : index
    %get3A_47 = arith.constant 0 : index
    %get3A_48 = vector.load %arg6[%get3A_45, %get3A_46, %get3A_47] : memref<1x1x768xf32, #tpu.memory_space<vmem>>, vector<1x1x768xf32>
    %get3A_49 = vector.shape_cast %get3A_48 : vector<1x1x768xf32> to vector<1x768xf32>
    %add3A_50 = vector.broadcast %get3A_49 : vector<1x768xf32> to vector<256x768xf32>
    %add3A_51 = arith.addf %mul3A_44, %add3A_50 : vector<256x768xf32>
    %mul3A_52 = arith.constant 5.000000e-01 : f32
    %mul3A_53 = vector.broadcast %mul3A_52 : f32 to vector<256x768xf32>
    %mul3A_54 = arith.mulf %add3A_51, %mul3A_53 : vector<256x768xf32>
    %mul3A_55 = arith.constant 0.707106769 : f32
    %mul3A_56 = vector.broadcast %mul3A_55 : f32 to vector<256x768xf32>
    %mul3A_57 = arith.mulf %add3A_51, %mul3A_56 : vector<256x768xf32>
    %erf3A = math.erf %mul3A_57 : vector<256x768xf32>
    %add3A_58 = arith.constant 1.000000e+00 : f32
    %add3A_59 = vector.broadcast %add3A_58 : f32 to vector<256x768xf32>
    %add3A_60 = arith.addf %add3A_59, %erf3A : vector<256x768xf32>
    %mul3A_61 = arith.mulf %mul3A_54, %add3A_60 : vector<256x768xf32>
    %convert_element_type3A_62 = arith.truncf %mul3A_61 : vector<256x768xf32> to vector<256x768xbf16>
    %get3A_63 = arith.constant 0 : index
    %get3A_64 = arith.constant 0 : index
    %get3A_65 = vector.load %arg11[%get3A_63, %get3A_64] : memref<768x768xbf16, #tpu.memory_space<vmem>>, vector<768x768xbf16>
    %dot_general3A_66 = arith.constant dense<0.000000e+00> : vector<256x768xf32>
    %dot_general3A_67 = tpu.matmul %convert_element_type3A_62, %get3A_65, %dot_general3A_66 {dimension_numbers = #tpu.dot_dimension_numbers<[1], [0], [0], [1], [0, 0, 1, 1], [], []>, transpose_lhs_hint = false} : vector<256x768xbf16>, vector<768x768xbf16>, vector<256x768xf32> -> vector<256x768xf32>
    %get3A_68 = arith.constant 0 : index
    %get3A_69 = arith.constant 0 : index
    %get3A_70 = arith.constant 0 : index
    %get3A_71 = vector.load %arg8[%get3A_68, %get3A_69, %get3A_70] : memref<1x1x768xf32, #tpu.memory_space<vmem>>, vector<1x1x768xf32>
    %get3A_72 = vector.shape_cast %get3A_71 : vector<1x1x768xf32> to vector<1x768xf32>
    %add3A_73 = vector.broadcast %get3A_72 : vector<1x768xf32> to vector<256x768xf32>
    %add3A_74 = arith.addf %dot_general3A_67, %add3A_73 : vector<256x768xf32>
    %swap3A = arith.constant 0 : index
    %swap3A_75 = arith.constant 0 : index
    %swap3A_76 = vector.load %arg9[%swap3A, %swap3A_75] : memref<256x768xf32, #tpu.memory_space<vmem>>, vector<256x768xf32>
    tpu.vector_store %arg9[%swap3A, %swap3A_75], %add3A_74 {strides = array<i32>} : memref<256x768xf32, #tpu.memory_space<vmem>>, vector<256x768xf32>,
    return
  }
  func.func @transform_0(%arg0: i32, %arg1: memref<24xi32, #tpu.memory_space<smem>>) -> (i32, i32) {
    %c0_i32 = arith.constant 0 : i32
    %c0_i32_0 = arith.constant 0 : i32
    return %arg0, %c0_i32 : i32, i32
  }
  func.func @transform_1(%arg0: i32, %arg1: memref<24xi32, #tpu.memory_space<smem>>) -> (i32, i32, i32) {
    %get3A = arith.index_cast %arg0 : i32 to index
    %get3A_0 = memref.load %arg1[%get3A] : memref<24xi32, #tpu.memory_space<smem>>
    %c0_i32 = arith.constant 0 : i32
    %c0_i32_1 = arith.constant 0 : i32
    %c0_i32_2 = arith.constant 0 : i32
    return %get3A_0, %c0_i32, %c0_i32_1 : i32, i32, i32
  }
  func.func @transform_2(%arg0: i32, %arg1: memref<24xi32, #tpu.memory_space<smem>>) -> (i32, i32, i32) {
    %get3A = arith.index_cast %arg0 : i32 to index
    %get3A_0 = memref.load %arg1[%get3A] : memref<24xi32, #tpu.memory_space<smem>>
    %c0_i32 = arith.constant 0 : i32
    %c0_i32_1 = arith.constant 0 : i32
    %c0_i32_2 = arith.constant 0 : i32
    return %get3A_0, %c0_i32, %c0_i32_1 : i32, i32, i32
  }
  func.func @transform_3(%arg0: i32, %arg1: memref<24xi32, #tpu.memory_space<smem>>) -> (i32, i32, i32) {
    %get3A = arith.index_cast %arg0 : i32 to index
    %get3A_0 = memref.load %arg1[%get3A] : memref<24xi32, #tpu.memory_space<smem>>
    %c0_i32 = arith.constant 0 : i32
    %c0_i32_1 = arith.constant 0 : i32
    %c0_i32_2 = arith.constant 0 : i32
    return %get3A_0, %c0_i32, %c0_i32_1 : i32, i32, i32
  }
  func.func @transform_4(%arg0: i32, %arg1: memref<24xi32, #tpu.memory_space<smem>>) -> (i32, i32, i32) {
    %get3A = arith.index_cast %arg0 : i32 to index
    %get3A_0 = memref.load %arg1[%get3A] : memref<24xi32, #tpu.memory_space<smem>>
    %c0_i32 = arith.constant 0 : i32
    %c0_i32_1 = arith.constant 0 : i32
    %c0_i32_2 = arith.constant 0 : i32
    return %get3A_0, %c0_i32, %c0_i32_1 : i32, i32, i32
  }
  func.func @transform_5(%arg0: i32, %arg1: memref<24xi32, #tpu.memory_space<smem>>) -> (i32, i32, i32) {
    %get3A = arith.index_cast %arg0 : i32 to index
    %get3A_0 = memref.load %arg1[%get3A] : memref<24xi32, #tpu.memory_space<smem>>
    %c0_i32 = arith.constant 0 : i32
    %c0_i32_1 = arith.constant 0 : i32
    %c0_i32_2 = arith.constant 0 : i32
    return %get3A_0, %c0_i32, %c0_i32_1 : i32, i32, i32
  }
  func.func @transform_6(%arg0: i32, %arg1: memref<24xi32, #tpu.memory_space<smem>>) -> (i32, i32, i32) {
    %get3A = arith.index_cast %arg0 : i32 to index
    %get3A_0 = memref.load %arg1[%get3A] : memref<24xi32, #tpu.memory_space<smem>>
    %c0_i32 = arith.constant 0 : i32
    %c0_i32_1 = arith.constant 0 : i32
    %c0_i32_2 = arith.constant 0 : i32
    return %get3A_0, %c0_i32, %c0_i32_1 : i32, i32, i32
  }
  func.func @transform_7(%arg0: i32, %arg1: memref<24xi32, #tpu.memory_space<smem>>) -> (i32, i32) {
    %c0_i32 = arith.constant 0 : i32
    %c0_i32_0 = arith.constant 0 : i32
    return %arg0, %c0_i32 : i32, i32
  }
}

module attributes {stable_mosaic.version = 14 : i64} {
  func.func @_gate_body(%arg0: i32, %arg1: i32, %arg2: memref<256x768xf32, #tpu.memory_space<vmem>>, %arg3: memref<768x8xf32, #tpu.memory_space<vmem>>, %arg4: memref<1x8xf32, #tpu.memory_space<vmem>>, %arg5: memref<1x256xi32, #tpu.memory_space<vmem>>, %arg6: memref<1x256xi32, #tpu.memory_space<vmem>>, %arg7: memref<256x8xf32, #tpu.memory_space<vmem>>, %arg8: memref<1x24xi32, #tpu.memory_space<vmem>>, %arg9: memref<1x8xf32, #tpu.memory_space<vmem>>, %arg10: memref<1x8xf32, #tpu.memory_space<vmem>>, %arg11: memref<1x8xf32, #tpu.memory_space<vmem>>) attributes {dimension_semantics = [#tpu.dimension_semantics<arbitrary>, #tpu.dimension_semantics<arbitrary>], iteration_bounds = array<i64: 2, 8>, scalar_prefetch = 0 : i64, scratch_operands = 3 : i64, tpu.core_type = #tpu.core_type<tc>, window_params = [{transform_indices = @transform_0, window_bounds = array<i64: 256, 768>}, {pipeline_mode = #tpu.pipeline_mode<synchronous>, transform_indices = @transform_1, window_bounds = array<i64: 768, 8>}, {pipeline_mode = #tpu.pipeline_mode<synchronous>, transform_indices = @transform_2, window_bounds = array<i64: 1, 8>}, {transform_indices = @transform_3, window_bounds = array<i64: 1, 256>}, {transform_indices = @transform_4, window_bounds = array<i64: 1, 256>}, {transform_indices = @transform_5, window_bounds = array<i64: 256, 8>}, {pipeline_mode = #tpu.pipeline_mode<synchronous>, transform_indices = @transform_6, window_bounds = array<i64: 1, 24>}]} {
    %get3A = arith.constant 0 : index
    %get3A_0 = arith.constant 0 : index
    %get3A_1 = vector.load %arg2[%get3A, %get3A_0] : memref<256x768xf32, #tpu.memory_space<vmem>>, vector<256x768xf32>
    %get3A_2 = arith.constant 0 : index
    %get3A_3 = arith.constant 0 : index
    %get3A_4 = vector.load %arg3[%get3A_2, %get3A_3] : memref<768x8xf32, #tpu.memory_space<vmem>>, vector<768x8xf32>
    %dot_general3A = arith.constant dense<0.000000e+00> : vector<256x8xf32>
    %dot_general3A_5 = tpu.matmul %get3A_1, %get3A_4, %dot_general3A {dimension_numbers = #tpu.dot_dimension_numbers<[1], [0], [0], [1], [0, 0, 1, 1], [], []>, transpose_lhs_hint = false} : vector<256x768xf32>, vector<768x8xf32>, vector<256x8xf32> -> vector<256x8xf32>
    %get3A_6 = arith.constant 0 : index
    %get3A_7 = arith.constant 0 : index
    %get3A_8 = vector.load %arg4[%get3A_6, %get3A_7] : memref<1x8xf32, #tpu.memory_space<vmem>>, vector<1x8xf32>
    %add3A = vector.broadcast %get3A_8 : vector<1x8xf32> to vector<256x8xf32>
    %add3A_9 = arith.addf %dot_general3A_5, %add3A : vector<256x8xf32>
    %iota3A = tpu.iota {dimensions = array<i32: 1>} : vector<256x8xi32>
    %reduce_max3A = arith.constant dense<0xFF800000> : vector<256xf32>
    %reduce_max3A_10 = vector.multi_reduction <maximumf>, %add3A_9, %reduce_max3A [1] : vector<256x8xf32> to vector<256xf32>
    %broadcast_in_dim3A = vector.shape_cast %reduce_max3A_10 : vector<256xf32> to vector<256x1xf32>
    %eq3A = vector.broadcast %broadcast_in_dim3A : vector<256x1xf32> to vector<256x8xf32>
    %eq3A_11 = arith.cmpf oeq, %add3A_9, %eq3A : vector<256x8xf32>
    %jit3A = arith.constant 8 : i32
    %broadcast_in_dim3A_12 = vector.broadcast %jit3A : i32 to vector<256x8xi32>
    %select_n3A = arith.select %eq3A_11, %iota3A, %broadcast_in_dim3A_12 : vector<256x8xi1>, vector<256x8xi32>
    %reduce_min3A = arith.constant dense<2147483647> : vector<256xi32>
    %reduce_min3A_13 = vector.multi_reduction <minsi>, %select_n3A, %reduce_min3A [1] : vector<256x8xi32> to vector<256xi32>
    %broadcast_in_dim3A_14 = vector.shape_cast %reduce_min3A_13 : vector<256xi32> to vector<256x1xi32>
    %eq3A_15 = vector.broadcast %broadcast_in_dim3A_14 : vector<256x1xi32> to vector<256x8xi32>
    %eq3A_16 = arith.cmpi eq, %iota3A, %eq3A_15 : vector<256x8xi32>
    %jit3A_17 = arith.constant 0xFF800000 : f32
    %broadcast_in_dim3A_18 = vector.broadcast %jit3A_17 : f32 to vector<256x8xf32>
    %select_n3A_19 = arith.select %eq3A_16, %broadcast_in_dim3A_18, %add3A_9 : vector<256x8xi1>, vector<256x8xf32>
    %reduce_max3A_20 = arith.constant dense<0xFF800000> : vector<256xf32>
    %reduce_max3A_21 = vector.multi_reduction <maximumf>, %select_n3A_19, %reduce_max3A_20 [1] : vector<256x8xf32> to vector<256xf32>
    %broadcast_in_dim3A_22 = vector.shape_cast %reduce_max3A_21 : vector<256xf32> to vector<256x1xf32>
    %eq3A_23 = vector.broadcast %broadcast_in_dim3A_22 : vector<256x1xf32> to vector<256x8xf32>
    %eq3A_24 = arith.cmpf oeq, %select_n3A_19, %eq3A_23 : vector<256x8xf32>
    %jit3A_25 = arith.constant 8 : i32
    %broadcast_in_dim3A_26 = vector.broadcast %jit3A_25 : i32 to vector<256x8xi32>
    %select_n3A_27 = arith.select %eq3A_24, %iota3A, %broadcast_in_dim3A_26 : vector<256x8xi1>, vector<256x8xi32>
    %reduce_min3A_28 = arith.constant dense<2147483647> : vector<256xi32>
    %reduce_min3A_29 = vector.multi_reduction <minsi>, %select_n3A_27, %reduce_min3A_28 [1] : vector<256x8xi32> to vector<256xi32>
    %broadcast_in_dim3A_30 = vector.shape_cast %reduce_min3A_29 : vector<256xi32> to vector<256x1xi32>
    %eq3A_31 = vector.broadcast %broadcast_in_dim3A_30 : vector<256x1xi32> to vector<256x8xi32>
    %eq3A_32 = arith.cmpi eq, %iota3A, %eq3A_31 : vector<256x8xi32>
    %or3A = arith.ori %eq3A_16, %eq3A_32 : vector<256x8xi1>
    %sub3A = vector.broadcast %broadcast_in_dim3A : vector<256x1xf32> to vector<256x8xf32>
    %sub3A_33 = arith.subf %add3A_9, %sub3A : vector<256x8xf32>
    %exp3A = math.exp %sub3A_33 : vector<256x8xf32>
    %jit3A_34 = arith.constant 0.000000e+00 : f32
    %broadcast_in_dim3A_35 = vector.broadcast %jit3A_34 : f32 to vector<256x8xf32>
    %select_n3A_36 = arith.select %or3A, %exp3A, %broadcast_in_dim3A_35 : vector<256x8xi1>, vector<256x8xf32>
    %reduce_sum3A = arith.constant dense<0.000000e+00> : vector<256xf32>
    %reduce_sum3A_37 = vector.multi_reduction <add>, %select_n3A_36, %reduce_sum3A [1] : vector<256x8xf32> to vector<256xf32>
    %broadcast_in_dim3A_38 = vector.shape_cast %reduce_sum3A_37 : vector<256xf32> to vector<256x1xf32>
    %convert_element_type3A = arith.extui %or3A : vector<256x8xi1> to vector<256x8xi32>
    %convert_element_type3A_39 = arith.sitofp %convert_element_type3A : vector<256x8xi32> to vector<256x8xf32>
    %eq3A_40 = arith.constant 0 : i32
    %eq3A_41 = arith.cmpi eq, %arg0, %eq3A_40 : i32
    %eq3A_42 = arith.constant 0 : i32
    %eq3A_43 = arith.cmpi eq, %arg1, %eq3A_42 : i32
    %and3A = arith.andi %eq3A_41, %eq3A_43 : i1
    %convert_element_type3A_44 = arith.extui %and3A : i1 to i32
    %cond3A = arith.constant 0 : i32
    %cond3A_45 = arith.cmpi ne, %convert_element_type3A_44, %cond3A : i32
    scf.if %cond3A_45 {
      %broadcast_in_dim3A_64 = arith.constant 0.000000e+00 : f32
      %broadcast_in_dim3A_65 = vector.broadcast %broadcast_in_dim3A_64 : f32 to vector<1x8xf32>
      %swap3A = arith.constant 0 : index
      %swap3A_66 = arith.constant 0 : index
      %swap3A_67 = vector.load %arg9[%swap3A, %swap3A_66] : memref<1x8xf32, #tpu.memory_space<vmem>>, vector<1x8xf32>
      tpu.vector_store %arg9[%swap3A, %swap3A_66], %broadcast_in_dim3A_65 {strides = array<i32>} : memref<1x8xf32, #tpu.memory_space<vmem>>, vector<1x8xf32>,
    } else {
    }
    %eq3A_46 = arith.constant 0 : i32
    %eq3A_47 = arith.cmpi eq, %arg0, %eq3A_46 : i32
    %convert_element_type3A_48 = arith.extui %eq3A_47 : i1 to i32
    %cond3A_49 = arith.constant 0 : i32
    %cond3A_50 = arith.cmpi ne, %convert_element_type3A_48, %cond3A_49 : i32
    scf.if %cond3A_50 {
      %get3A_64 = arith.constant 0 : index
      %get3A_65 = arith.constant 0 : index
      %get3A_66 = vector.load %arg9[%get3A_64, %get3A_65] : memref<1x8xf32, #tpu.memory_space<vmem>>, vector<1x8xf32>
      %reduce_sum3A_67 = arith.constant dense<0.000000e+00> : vector<8xf32>
      %reduce_sum3A_68 = vector.multi_reduction <add>, %convert_element_type3A_39, %reduce_sum3A_67 [0] : vector<256x8xf32> to vector<8xf32>
      %broadcast_in_dim3A_69 = vector.shape_cast %reduce_sum3A_68 : vector<8xf32> to vector<1x8xf32>
      %add3A_70 = arith.addf %get3A_66, %broadcast_in_dim3A_69 : vector<1x8xf32>
      %swap3A = arith.constant 0 : index
      %swap3A_71 = arith.constant 0 : index
      %swap3A_72 = vector.load %arg9[%swap3A, %swap3A_71] : memref<1x8xf32, #tpu.memory_space<vmem>>, vector<1x8xf32>
      tpu.vector_store %arg9[%swap3A, %swap3A_71], %add3A_70 {strides = array<i32>} : memref<1x8xf32, #tpu.memory_space<vmem>>, vector<1x8xf32>,
    } else {
    }
    %eq3A_51 = arith.constant 1 : i32
    %eq3A_52 = arith.cmpi eq, %arg0, %eq3A_51 : i32
    %eq3A_53 = arith.constant 0 : i32
    %eq3A_54 = arith.cmpi eq, %arg1, %eq3A_53 : i32
    %and3A_55 = arith.andi %eq3A_52, %eq3A_54 : i1
    %convert_element_type3A_56 = arith.extui %and3A_55 : i1 to i32
    %cond3A_57 = arith.constant 0 : i32
    %cond3A_58 = arith.cmpi ne, %convert_element_type3A_56, %cond3A_57 : i32
    scf.if %cond3A_58 {
      %get3A_64 = arith.constant 0 : index
      %get3A_65 = arith.constant 0 : index
      %get3A_66 = vector.load %arg9[%get3A_64, %get3A_65] : memref<1x8xf32, #tpu.memory_space<vmem>>, vector<1x8xf32>
      %add3A_67 = arith.constant 2.550000e+02 : f32
      %add3A_68 = vector.broadcast %add3A_67 : f32 to vector<1x8xf32>
      %add3A_69 = arith.addf %get3A_66, %add3A_68 : vector<1x8xf32>
      %div3A = arith.constant 2.560000e+02 : f32
      %div3A_70 = vector.broadcast %div3A : f32 to vector<1x8xf32>
      %div3A_71 = arith.divf %add3A_69, %div3A_70 : vector<1x8xf32>
      %floor3A = math.floor %div3A_71 : vector<1x8xf32>
      %mul3A = arith.constant 2.560000e+02 : f32
      %mul3A_72 = vector.broadcast %mul3A : f32 to vector<1x8xf32>
      %mul3A_73 = arith.mulf %floor3A, %mul3A_72 : vector<1x8xf32>
      %iota3A_74 = tpu.iota {dimensions = array<i32: 0>} : vector<8x8xi32>
      %iota3A_75 = tpu.iota {dimensions = array<i32: 1>} : vector<8x8xi32>
      %lt3A = arith.cmpi slt, %iota3A_74, %iota3A_75 : vector<8x8xi32>
      %convert_element_type3A_76 = arith.extui %lt3A : vector<8x8xi1> to vector<8x8xi32>
      %convert_element_type3A_77 = arith.sitofp %convert_element_type3A_76 : vector<8x8xi32> to vector<8x8xf32>
      %convert_element_type3A_78 = arith.truncf %convert_element_type3A_77 : vector<8x8xf32> to vector<8x8xbf16>
      %convert_element_type3A_79 = arith.truncf %mul3A_73 : vector<1x8xf32> to vector<1x8xbf16>
      %dot_general3A_80 = arith.constant dense<0.000000e+00> : vector<1x8xf32>
      %dot_general3A_81 = tpu.matmul %convert_element_type3A_79, %convert_element_type3A_78, %dot_general3A_80 {dimension_numbers = #tpu.dot_dimension_numbers<[1], [0], [0], [1], [0, 0, 1, 1], [], []>, transpose_lhs_hint = false} : vector<1x8xbf16>, vector<8x8xbf16>, vector<1x8xf32> -> vector<1x8xf32>
      %swap3A = arith.constant 0 : index
      %swap3A_82 = arith.constant 0 : index
      %swap3A_83 = vector.load %arg10[%swap3A, %swap3A_82] : memref<1x8xf32, #tpu.memory_space<vmem>>, vector<1x8xf32>
      tpu.vector_store %arg10[%swap3A, %swap3A_82], %dot_general3A_81 {strides = array<i32>} : memref<1x8xf32, #tpu.memory_space<vmem>>, vector<1x8xf32>,
      %broadcast_in_dim3A_84 = arith.constant 0.000000e+00 : f32
      %broadcast_in_dim3A_85 = vector.broadcast %broadcast_in_dim3A_84 : f32 to vector<1x8xf32>
      %swap3A_86 = arith.constant 0 : index
      %swap3A_87 = arith.constant 0 : index
      %swap3A_88 = vector.load %arg11[%swap3A_86, %swap3A_87] : memref<1x8xf32, #tpu.memory_space<vmem>>, vector<1x8xf32>
      tpu.vector_store %arg11[%swap3A_86, %swap3A_87], %broadcast_in_dim3A_85 {strides = array<i32>} : memref<1x8xf32, #tpu.memory_space<vmem>>, vector<1x8xf32>,
    } else {
    }
    %eq3A_59 = arith.constant 1 : i32
    %eq3A_60 = arith.cmpi eq, %arg0, %eq3A_59 : i32
    %convert_element_type3A_61 = arith.extui %eq3A_60 : i1 to i32
    %cond3A_62 = arith.constant 0 : i32
    %cond3A_63 = arith.cmpi ne, %convert_element_type3A_61, %cond3A_62 : i32
    scf.if %cond3A_63 {
      %get3A_64 = arith.constant 0 : index
      %get3A_65 = arith.constant 0 : index
      %get3A_66 = vector.load %arg10[%get3A_64, %get3A_65] : memref<1x8xf32, #tpu.memory_space<vmem>>, vector<1x8xf32>
      %get3A_67 = arith.constant 0 : index
      %get3A_68 = arith.constant 0 : index
      %get3A_69 = vector.load %arg11[%get3A_67, %get3A_68] : memref<1x8xf32, #tpu.memory_space<vmem>>, vector<1x8xf32>
      %iota3A_70 = tpu.iota {dimensions = array<i32: 1>} : vector<256x256xi32>
      %iota3A_71 = tpu.iota {dimensions = array<i32: 0>} : vector<256x256xi32>
      %lt3A = arith.cmpi slt, %iota3A_70, %iota3A_71 : vector<256x256xi32>
      %convert_element_type3A_72 = arith.extui %lt3A : vector<256x256xi1> to vector<256x256xi32>
      %convert_element_type3A_73 = arith.sitofp %convert_element_type3A_72 : vector<256x256xi32> to vector<256x256xf32>
      %convert_element_type3A_74 = arith.truncf %convert_element_type3A_73 : vector<256x256xf32> to vector<256x256xbf16>
      %convert_element_type3A_75 = arith.truncf %convert_element_type3A_39 : vector<256x8xf32> to vector<256x8xbf16>
      %dot_general3A_76 = arith.constant dense<0.000000e+00> : vector<256x8xf32>
      %dot_general3A_77 = tpu.matmul %convert_element_type3A_74, %convert_element_type3A_75, %dot_general3A_76 {dimension_numbers = #tpu.dot_dimension_numbers<[1], [0], [0], [1], [0, 0, 1, 1], [], []>, transpose_lhs_hint = false} : vector<256x256xbf16>, vector<256x8xbf16>, vector<256x8xf32> -> vector<256x8xf32>
      %add3A_78 = vector.broadcast %get3A_69 : vector<1x8xf32> to vector<256x8xf32>
      %add3A_79 = arith.addf %add3A_78, %dot_general3A_77 : vector<256x8xf32>
      %reduce_sum3A_80 = arith.constant dense<0.000000e+00> : vector<8xf32>
      %reduce_sum3A_81 = vector.multi_reduction <add>, %convert_element_type3A_39, %reduce_sum3A_80 [0] : vector<256x8xf32> to vector<8xf32>
      %broadcast_in_dim3A_82 = vector.shape_cast %reduce_sum3A_81 : vector<8xf32> to vector<1x8xf32>
      %add3A_83 = arith.addf %get3A_69, %broadcast_in_dim3A_82 : vector<1x8xf32>
      %swap3A = arith.constant 0 : index
      %swap3A_84 = arith.constant 0 : index
      %swap3A_85 = vector.load %arg11[%swap3A, %swap3A_84] : memref<1x8xf32, #tpu.memory_space<vmem>>, vector<1x8xf32>
      tpu.vector_store %arg11[%swap3A, %swap3A_84], %add3A_83 {strides = array<i32>} : memref<1x8xf32, #tpu.memory_space<vmem>>, vector<1x8xf32>,
      %add3A_86 = vector.broadcast %get3A_66 : vector<1x8xf32> to vector<256x8xf32>
      %add3A_87 = arith.addf %add3A_86, %add3A_79 : vector<256x8xf32>
      %jit3A_88 = arith.constant 0.000000e+00 : f32
      %broadcast_in_dim3A_89 = vector.broadcast %jit3A_88 : f32 to vector<256x8xf32>
      %select_n3A_90 = arith.select %eq3A_16, %add3A_87, %broadcast_in_dim3A_89 : vector<256x8xi1>, vector<256x8xf32>
      %reduce_sum3A_91 = arith.constant dense<0.000000e+00> : vector<256xf32>
      %reduce_sum3A_92 = vector.multi_reduction <add>, %select_n3A_90, %reduce_sum3A_91 [1] : vector<256x8xf32> to vector<256xf32>
      %broadcast_in_dim3A_93 = vector.shape_cast %reduce_sum3A_92 : vector<256xf32> to vector<256x1xf32>
      %jit3A_94 = arith.constant 0.000000e+00 : f32
      %broadcast_in_dim3A_95 = vector.broadcast %jit3A_94 : f32 to vector<256x8xf32>
      %select_n3A_96 = arith.select %eq3A_32, %add3A_87, %broadcast_in_dim3A_95 : vector<256x8xi1>, vector<256x8xf32>
      %reduce_sum3A_97 = arith.constant dense<0.000000e+00> : vector<256xf32>
      %reduce_sum3A_98 = vector.multi_reduction <add>, %select_n3A_96, %reduce_sum3A_97 [1] : vector<256x8xf32> to vector<256xf32>
      %broadcast_in_dim3A_99 = vector.shape_cast %reduce_sum3A_98 : vector<256xf32> to vector<256x1xf32>
      %jit3A_100 = arith.constant 0.000000e+00 : f32
      %broadcast_in_dim3A_101 = vector.broadcast %jit3A_100 : f32 to vector<256x8xf32>
      %select_n3A_102 = arith.select %eq3A_16, %select_n3A_36, %broadcast_in_dim3A_101 : vector<256x8xi1>, vector<256x8xf32>
      %reduce_sum3A_103 = arith.constant dense<0.000000e+00> : vector<256xf32>
      %reduce_sum3A_104 = vector.multi_reduction <add>, %select_n3A_102, %reduce_sum3A_103 [1] : vector<256x8xf32> to vector<256xf32>
      %broadcast_in_dim3A_105 = vector.shape_cast %reduce_sum3A_104 : vector<256xf32> to vector<256x1xf32>
      %div3A = arith.divf %broadcast_in_dim3A_105, %broadcast_in_dim3A_38 : vector<256x1xf32>
      %jit3A_106 = arith.constant 0.000000e+00 : f32
      %broadcast_in_dim3A_107 = vector.broadcast %jit3A_106 : f32 to vector<256x8xf32>
      %select_n3A_108 = arith.select %eq3A_32, %select_n3A_36, %broadcast_in_dim3A_107 : vector<256x8xi1>, vector<256x8xf32>
      %reduce_sum3A_109 = arith.constant dense<0.000000e+00> : vector<256xf32>
      %reduce_sum3A_110 = vector.multi_reduction <add>, %select_n3A_108, %reduce_sum3A_109 [1] : vector<256x8xf32> to vector<256xf32>
      %broadcast_in_dim3A_111 = vector.shape_cast %reduce_sum3A_110 : vector<256xf32> to vector<256x1xf32>
      %div3A_112 = arith.divf %broadcast_in_dim3A_111, %broadcast_in_dim3A_38 : vector<256x1xf32>
      %iota3A_113 = tpu.iota {dimensions = array<i32: 1>} : vector<256x8xi32>
      %convert_element_type3A_114 = arith.fptosi %broadcast_in_dim3A_93 : vector<256x1xf32> to vector<256x1xi32>
      %reshape3A = vector.shape_cast %convert_element_type3A_114 : vector<256x1xi32> to vector<1x256xi32>
      %swap3A_115 = arith.constant 0 : index
      %swap3A_116 = arith.constant 0 : index
      %swap3A_117 = vector.load %arg5[%swap3A_115, %swap3A_116] : memref<1x256xi32, #tpu.memory_space<vmem>>, vector<1x256xi32>
      tpu.vector_store %arg5[%swap3A_115, %swap3A_116], %reshape3A {strides = array<i32>} : memref<1x256xi32, #tpu.memory_space<vmem>>, vector<1x256xi32>,
      %convert_element_type3A_118 = arith.fptosi %broadcast_in_dim3A_99 : vector<256x1xf32> to vector<256x1xi32>
      %reshape3A_119 = vector.shape_cast %convert_element_type3A_118 : vector<256x1xi32> to vector<1x256xi32>
      %swap3A_120 = arith.constant 0 : index
      %swap3A_121 = arith.constant 0 : index
      %swap3A_122 = vector.load %arg6[%swap3A_120, %swap3A_121] : memref<1x256xi32, #tpu.memory_space<vmem>>, vector<1x256xi32>
      tpu.vector_store %arg6[%swap3A_120, %swap3A_121], %reshape3A_119 {strides = array<i32>} : memref<1x256xi32, #tpu.memory_space<vmem>>, vector<1x256xi32>,
      %eq3A_123 = arith.constant 0 : i32
      %eq3A_124 = vector.broadcast %eq3A_123 : i32 to vector<256x8xi32>
      %eq3A_125 = arith.cmpi eq, %iota3A_113, %eq3A_124 : vector<256x8xi32>
      %jit3A_126 = arith.constant 0.000000e+00 : f32
      %broadcast_in_dim3A_127 = vector.shape_cast %div3A : vector<256x1xf32> to vector<256x1xf32>
      %broadcast_in_dim3A_128 = vector.broadcast %broadcast_in_dim3A_127 : vector<256x1xf32> to vector<256x8xf32>
      %broadcast_in_dim3A_129 = vector.broadcast %jit3A_126 : f32 to vector<256x8xf32>
      %select_n3A_130 = arith.select %eq3A_125, %broadcast_in_dim3A_128, %broadcast_in_dim3A_129 : vector<256x8xi1>, vector<256x8xf32>
      %eq3A_131 = arith.constant 1 : i32
      %eq3A_132 = vector.broadcast %eq3A_131 : i32 to vector<256x8xi32>
      %eq3A_133 = arith.cmpi eq, %iota3A_113, %eq3A_132 : vector<256x8xi32>
      %jit3A_134 = arith.constant 0.000000e+00 : f32
      %broadcast_in_dim3A_135 = vector.shape_cast %div3A_112 : vector<256x1xf32> to vector<256x1xf32>
      %broadcast_in_dim3A_136 = vector.broadcast %broadcast_in_dim3A_135 : vector<256x1xf32> to vector<256x8xf32>
      %broadcast_in_dim3A_137 = vector.broadcast %jit3A_134 : f32 to vector<256x8xf32>
      %select_n3A_138 = arith.select %eq3A_133, %broadcast_in_dim3A_136, %broadcast_in_dim3A_137 : vector<256x8xi1>, vector<256x8xf32>
      %add3A_139 = arith.addf %select_n3A_130, %select_n3A_138 : vector<256x8xf32>
      %swap3A_140 = arith.constant 0 : index
      %swap3A_141 = arith.constant 0 : index
      %swap3A_142 = vector.load %arg7[%swap3A_140, %swap3A_141] : memref<256x8xf32, #tpu.memory_space<vmem>>, vector<256x8xf32>
      tpu.vector_store %arg7[%swap3A_140, %swap3A_141], %add3A_139 {strides = array<i32>} : memref<256x8xf32, #tpu.memory_space<vmem>>, vector<256x8xf32>,
      %iota3A_143 = tpu.iota {dimensions = array<i32: 1>} : vector<8x24xi32>
      %convert_element_type3A_144 = arith.sitofp %iota3A_143 : vector<8x24xi32> to vector<8x24xf32>
      %mul3A = arith.constant 2.560000e+02 : f32
      %mul3A_145 = vector.broadcast %mul3A : f32 to vector<8x24xf32>
      %mul3A_146 = arith.mulf %mul3A_145, %convert_element_type3A_144 : vector<8x24xf32>
      %reshape3A_147 = vector.shape_cast %get3A_66 : vector<1x8xf32> to vector<8x1xf32>
      %le3A = vector.broadcast %reshape3A_147 : vector<8x1xf32> to vector<8x24xf32>
      %le3A_148 = arith.cmpf ole, %le3A, %mul3A_146 : vector<8x24xf32>
      %convert_element_type3A_149 = arith.extui %le3A_148 : vector<8x24xi1> to vector<8x24xi32>
      %reduce_sum3A_150 = arith.constant dense<0> : vector<24xi32>
      %reduce_sum3A_151 = vector.multi_reduction <add>, %convert_element_type3A_149, %reduce_sum3A_150 [0] : vector<8x24xi32> to vector<24xi32>
      %broadcast_in_dim3A_152 = vector.shape_cast %reduce_sum3A_151 : vector<24xi32> to vector<1x24xi32>
      %sub3A_153 = arith.constant 1 : i32
      %sub3A_154 = vector.broadcast %sub3A_153 : i32 to vector<1x24xi32>
      %sub3A_155 = arith.subi %broadcast_in_dim3A_152, %sub3A_154 : vector<1x24xi32>
      %swap3A_156 = arith.constant 0 : index
      %swap3A_157 = arith.constant 0 : index
      %swap3A_158 = vector.load %arg8[%swap3A_156, %swap3A_157] : memref<1x24xi32, #tpu.memory_space<vmem>>, vector<1x24xi32>
      tpu.vector_store %arg8[%swap3A_156, %swap3A_157], %sub3A_155 {strides = array<i32>} : memref<1x24xi32, #tpu.memory_space<vmem>>, vector<1x24xi32>,
    } else {
    }
    return
  }
  func.func @transform_0(%arg0: i32, %arg1: i32) -> (i32, i32) {
    %c0_i32 = arith.constant 0 : i32
    %c0_i32_0 = arith.constant 0 : i32
    return %arg1, %c0_i32 : i32, i32
  }
  func.func @transform_1(%arg0: i32, %arg1: i32) -> (i32, i32) {
    %c0_i32 = arith.constant 0 : i32
    %c0_i32_0 = arith.constant 0 : i32
    %c0_i32_1 = arith.constant 0 : i32
    return %c0_i32, %c0_i32_0 : i32, i32
  }
  func.func @transform_2(%arg0: i32, %arg1: i32) -> (i32, i32) {
    %c0_i32 = arith.constant 0 : i32
    %c0_i32_0 = arith.constant 0 : i32
    %c0_i32_1 = arith.constant 0 : i32
    return %c0_i32, %c0_i32_0 : i32, i32
  }
  func.func @transform_3(%arg0: i32, %arg1: i32) -> (i32, i32) {
    %c0_i32 = arith.constant 0 : i32
    %c0_i32_0 = arith.constant 0 : i32
    return %c0_i32, %arg1 : i32, i32
  }
  func.func @transform_4(%arg0: i32, %arg1: i32) -> (i32, i32) {
    %c0_i32 = arith.constant 0 : i32
    %c0_i32_0 = arith.constant 0 : i32
    return %c0_i32, %arg1 : i32, i32
  }
  func.func @transform_5(%arg0: i32, %arg1: i32) -> (i32, i32) {
    %c0_i32 = arith.constant 0 : i32
    %c0_i32_0 = arith.constant 0 : i32
    return %arg1, %c0_i32 : i32, i32
  }
  func.func @transform_6(%arg0: i32, %arg1: i32) -> (i32, i32) {
    %c0_i32 = arith.constant 0 : i32
    %c0_i32_0 = arith.constant 0 : i32
    %c0_i32_1 = arith.constant 0 : i32
    return %c0_i32, %c0_i32_0 : i32, i32
  }
}

module attributes {stable_mosaic.version = 14 : i64} {
  func.func @_combine_body(%arg0: i32, %arg1: memref<256x768xf32, #tpu.memory_space<vmem>>, %arg2: memref<256x768xf32, #tpu.memory_space<vmem>>, %arg3: memref<256x8xf32, #tpu.memory_space<vmem>>, %arg4: memref<256x768xf32, #tpu.memory_space<vmem>>) attributes {dimension_semantics = [#tpu.dimension_semantics<arbitrary>], iteration_bounds = array<i64: 8>, scalar_prefetch = 0 : i64, scratch_operands = 0 : i64, tpu.core_type = #tpu.core_type<tc>, window_params = [{transform_indices = @transform_0, window_bounds = array<i64: 256, 768>}, {transform_indices = @transform_1, window_bounds = array<i64: 256, 768>}, {transform_indices = @transform_2, window_bounds = array<i64: 256, 8>}, {transform_indices = @transform_3, window_bounds = array<i64: 256, 768>}]} {
    %get3A = arith.constant 0 : index
    %get3A_0 = arith.constant 0 : index
    %get3A_1 = vector.load %arg3[%get3A, %get3A_0] : memref<256x8xf32, #tpu.memory_space<vmem>>, vector<256x8xf32>
    %get3A_2 = arith.constant 0 : index
    %get3A_3 = arith.constant 0 : index
    %get3A_4 = vector.load %arg1[%get3A_2, %get3A_3] : memref<256x768xf32, #tpu.memory_space<vmem>>, vector<256x768xf32>
    %slice3A = vector.extract_strided_slice %get3A_1 {offsets = [0, 0], sizes = [256, 1], strides = [1, 1]} : vector<256x8xf32> to vector<256x1xf32>
    %mul3A = vector.broadcast %slice3A : vector<256x1xf32> to vector<256x768xf32>
    %mul3A_5 = arith.mulf %get3A_4, %mul3A : vector<256x768xf32>
    %get3A_6 = arith.constant 0 : index
    %get3A_7 = arith.constant 0 : index
    %get3A_8 = vector.load %arg2[%get3A_6, %get3A_7] : memref<256x768xf32, #tpu.memory_space<vmem>>, vector<256x768xf32>
    %slice3A_9 = vector.extract_strided_slice %get3A_1 {offsets = [0, 1], sizes = [256, 1], strides = [1, 1]} : vector<256x8xf32> to vector<256x1xf32>
    %mul3A_10 = vector.broadcast %slice3A_9 : vector<256x1xf32> to vector<256x768xf32>
    %mul3A_11 = arith.mulf %get3A_8, %mul3A_10 : vector<256x768xf32>
    %add3A = arith.addf %mul3A_5, %mul3A_11 : vector<256x768xf32>
    %swap3A = arith.constant 0 : index
    %swap3A_12 = arith.constant 0 : index
    %swap3A_13 = vector.load %arg4[%swap3A, %swap3A_12] : memref<256x768xf32, #tpu.memory_space<vmem>>, vector<256x768xf32>
    tpu.vector_store %arg4[%swap3A, %swap3A_12], %add3A {strides = array<i32>} : memref<256x768xf32, #tpu.memory_space<vmem>>, vector<256x768xf32>,
    return
  }
  func.func @transform_0(%arg0: i32) -> (i32, i32) {
    %c0_i32 = arith.constant 0 : i32
    %c0_i32_0 = arith.constant 0 : i32
    return %arg0, %c0_i32 : i32, i32
  }
  func.func @transform_1(%arg0: i32) -> (i32, i32) {
    %c0_i32 = arith.constant 0 : i32
    %c0_i32_0 = arith.constant 0 : i32
    return %arg0, %c0_i32 : i32, i32
  }
  func.func @transform_2(%arg0: i32) -> (i32, i32) {
    %c0_i32 = arith.constant 0 : i32
    %c0_i32_0 = arith.constant 0 : i32
    return %arg0, %c0_i32 : i32, i32
  }
  func.func @transform_3(%arg0: i32) -> (i32, i32) {
    %c0_i32 = arith.constant 0 : i32
    %c0_i32_0 = arith.constant 0 : i32
    return %arg0, %c0_i32 : i32, i32
  }
}

</mosaic_0001>

<sc_bundles>
// kernel: kernel.10.cloned.1.call-start
scs
__scs_entry_jumppad:
0x0: {  	(pc) =	sbr.rel $0x88, $3  }
0x1: {  	(tag) =	ssettag $0x0;
	lr =	simm.s32 $0x1  }
0x2: {  	[smem:$0x3F98] =	sst lr;
	_ =	strace $0xD0000000  }
0x3: {  	_ = 	snop  }
0x4: {  	_ = 	snop  }
0x5: {  	_ = 	snop  }
0x6: {  	_ = 	snop  }
0x7: {  	_ = 	snop  }
__scs_overlays_trampoline_lowered:
0x8: {  	[smem:$0x3FA7] =	sst s0  }
0x9: {  	[smem:$0x3FA8] =	sst s1  }
0xa: {  	[smem:$0x3FA9] =	sst s2  }
0xb: {  	[smem:$0x3FAA] =	sst s3  }
0xc: {  	[smem:$0x3FAB] =	sst s4  }
0xd: {  	[smem:$0x3FAC] =	sst s5  }
0xe: {  	[smem:$0x3FAD] =	sst s6  }
0xf: {  	[smem:$0x3FAE] =	sst s7  }
0x10: {  	[smem:$0x3FAF] =	sst s8  }
0x11: {  	[smem:$0x3FB0] =	sst s9;
	s0 =	simm.s32 @!p0 $0x0  }
0x12: {  	s1 =	sld [smem:$0x3F96];
	s0 =	simm.s32 @p0 $0x1  }
0x13: {  	[smem:$0x3FB1] =	sst s0;
	s0 =	simm.s32 @!p1 $0x0  }
0x14: {  	s2 =	sld [smem:$0x3F95];
	s0 =	simm.s32 @p1 $0x1  }
0x15: {  	[smem:$0x3FB2] =	sst s0;
	s0 =	simm.s32 @!p2 $0x0  }
0x16: {  	s3 =	sld [smem:$0x3FDB];
	s0 =	simm.s32 @p2 $0x1  }
0x17: {  	s4 =	simm.s32 $0x1BF5;
	[smem:$0x3FB4] =	sst s0  }
0x18: {  	s0 =	sld [smem:$0x3F97];
	_ =	swait.ge [sflag:s4], $0x0  }
0x19: {  	s7 =	sld [smem:$0x3F98]  }
0x1a: {  	s8 =	sadd.s32 $0xFFFFE003, lr  }
0x1b: {  	s9 =	sadd.s32 $0xFFFFFEF7, lr;
	s5 =	simm.s32 $0xFFFFFFFF;
	p2 =	slt.u32 s8, $0xFFFFF086  }
0x1c: {  	p1 =	slt.u32 s9, $0xF7A;
	s5 =	simm.s32 @!p2 $0x0  }
0x1d: {  	s5 =	simm.s32 @p1 $0x1;
	p0 =	seq.s32 s7, s2  }
0x1e: {  	s7 =	smul.u32 @!p0 $0xF7A, s2;
	p2 =	seq.s32 @!p0 s5, $0x0  }
0x1f: {  	s9 =	smul.u32 $0xF7A, s1;
	s8 =	simm.s32 @!p0 $0x1BF5;
	p2 =	por !p2, p0  }
0x20: {  	[sflag:s8] =	ssyncset.s32 @!p0 $0xFFFFF086;
	s6 =	sadd.s32 @!p0 s3, s7;
	s7 =	simm.s32 @!p0 $0x108  }
0x21: {  	s3 =	sadd.s32 s3, s9;
	s6 =	sadd.s32 @!p0 $0x88, s6;
	s7 =	simm.s32 @p2 $0x1082  }
0x22: {  	[simem:s7], [sflag:s8] =	dma.local @!p0 [hbm:s6], $0xF7A  }
0x23: {  	s9 =	sor.u32 $0xD0000000, s2;
	s6 =	simm.s32 $0x108;
	_ =	swait.ge @!p0 [sflag:s8], $0x0  }
0x24: {  	s3 =	sadd.s32 $0x88, s3;
	s6 =	simm.s32 @!p1 $0x1082;
	[sflag:s4] =	ssyncset.s32 $0xFFFFF086  }
0x25: {  	[simem:s6], [sflag:s4] =	dma.local [hbm:s3], $0xF7A  }
0x26: {  	[smem:$0x3F98] =	sst s1;
	(tag) =	ssettag s2;
	_ =	strace s9  }
0x27: {  	s1 =	sld [smem:$0x3FA8]  }
0x28: {  	s2 =	sld [smem:$0x3FA9]  }
0x29: {  	s4 =	sld [smem:$0x3FAB]  }
0x2a: {  	p0 =	seq.s32 s5, $0x0;
	s5 =	sld [smem:$0x3FAC]  }
0x2b: {  	s6 =	sld [smem:$0x3FAD]  }
0x2c: {  	s7 =	sld [smem:$0x3FAE]  }
0x2d: {  	s3 =	simm.s32 $0x108;
	s8 =	sld [smem:$0x3FAF]  }
0x2e: {  	s3 =	simm.s32 @!p0 $0x1082;
	s9 =	sld [smem:$0x3FB0]  }
0x2f: {  	lr =	sadd.s32 s0, s3;
	s0 =	sld [smem:$0x3FA7]  }
0x30: {  	s3 =	sld [smem:$0x3FAA]  }
0x31: {  	[smem:$0x3FB3] =	sst s10  }
0x32: {  	s10 =	sld [smem:$0x3FB1];
	_ =	sdelay $0x3  }
0x33: {  	p0 =	seq.s32 s10, $0x1;
	s10 =	sld [smem:$0x3FB3];
	_ =	sdelay $0x3  }
0x34: {  	[smem:$0x3FB3] =	sst s10  }
0x35: {  	s10 =	sld [smem:$0x3FB2];
	_ =	sdelay $0x3  }
0x36: {  	p1 =	seq.s32 s10, $0x1;
	s10 =	sld [smem:$0x3FB3];
	_ =	sdelay $0x3  }
0x37: {  	[smem:$0x3FB3] =	sst s10  }
0x38: {  	s10 =	sld [smem:$0x3FB4]  }
0x39: {  	_ = 	snop;
	(pc) =	sbr.ind lr, $3  }
0x3a: {  	_ = 	snop  }
0x3b: {  	_ = 	snop  }
0x3c: {  	p2 =	seq.s32 s10, $0x1;
	s10 =	sld [smem:$0x3FB3]  }
0x3d: {  	_ =	shalt  }
0x3e: {  	_ =	shalt  }
0x3f: {  	_ =	shalt  }
0x40: {  	_ =	shalt  }
0x41: {  	_ =	shalt  }
0x42: {  	_ =	shalt  }
0x43: {  	_ =	shalt  }
0x44: {  	_ =	shalt  }
0x45: {  	_ =	shalt  }
0x46: {  	_ =	shalt  }
0x47: {  	_ =	shalt  }
0x48: {  	_ =	shalt  }
0x49: {  	_ =	shalt  }
0x4a: {  	_ =	shalt  }
0x4b: {  	_ =	shalt  }
0x4c: {  	_ =	shalt  }
0x4d: {  	_ =	shalt  }
0x4e: {  	_ =	shalt  }
0x4f: {  	_ =	shalt  }
0x50: {  	_ =	shalt  }
0x51: {  	_ =	shalt  }
0x52: {  	_ =	shalt  }
0x53: {  	_ =	shalt  }
0x54: {  	_ =	shalt  }
0x55: {  	_ =	shalt  }
0x56: {  	_ =	shalt  }
0x57: {  	_ =	shalt  }
0x58: {  	_ =	shalt  }
0x59: {  	_ =	shalt  }
0x5a: {  	_ =	shalt  }
0x5b: {  	_ =	shalt  }
0x5c: {  	_ =	shalt  }
0x5d: {  	_ =	shalt  }
0x5e: {  	_ =	shalt  }
0x5f: {  	_ =	shalt  }
0x60: {  	_ =	shalt  }
0x61: {  	_ =	shalt  }
0x62: {  	_ =	shalt  }
0x63: {  	_ =	shalt  }
0x64: {  	_ =	shalt  }
0x65: {  	_ =	shalt  }
0x66: {  	_ =	shalt  }
0x67: {  	_ =	shalt  }
0x68: {  	_ =	shalt  }
0x69: {  	_ =	shalt  }
0x6a: {  	_ =	shalt  }
0x6b: {  	_ =	shalt  }
0x6c: {  	_ =	shalt  }
0x6d: {  	_ =	shalt  }
0x6e: {  	_ =	shalt  }
0x6f: {  	_ =	shalt  }
0x70: {  	_ =	shalt  }
0x71: {  	_ =	shalt  }
0x72: {  	_ =	shalt  }
0x73: {  	_ =	shalt  }
0x74: {  	_ =	shalt  }
0x75: {  	_ =	shalt  }
0x76: {  	_ =	shalt  }
0x77: {  	_ =	shalt  }
0x78: {  	_ =	shalt  }
0x79: {  	_ =	shalt  }
0x7a: {  	_ =	shalt  }
0x7b: {  	_ =	shalt  }
0x7c: {  	_ =	shalt  }
0x7d: {  	_ =	shalt  }
0x7e: {  	_ =	shalt  }
0x7f: {  	_ =	shalt  }
0x80: {  	_ =	shalt  }
0x81: {  	_ =	shalt  }
0x82: {  	_ =	shalt  }
0x83: {  	_ =	shalt  }
0x84: {  	_ =	shalt  }
0x85: {  	_ =	shalt  }
0x86: {  	_ =	shalt  }
0x87: {  	_ =	shalt  }
.Lfunc_end0:
.L_simem_size_0:
called_computation.1_lowered:
.L_overlay_start_0:
0x88: {  	s2 =	sld [smem:$0x3FD9]  }
0x89: {  	s3 =	sld [smem:$0x3FFE];
	_ =	sdelay $0x1  }
0x8a: {  	s1 =	srdreg.scid  }
0x8b: {  	s0 =	sand.u32 $0x1, s1  }
0x8c: {  	s17 =	sshll.u32 s0, $0xA;
	s2 =	sadd.s32 s3, s2  }
0x8d: {  	s2 =	sadd.s32 s2, s17  }
0x8e: {  	[smem:$0x3FBF] =	sst s2  }
0x8f: {  	_ = 	snop  }
0x90: {  	s2 =	sld [smem:$0x3FD0];
	(tm) =	ssettm $0x1  }
0x91: {  	s18 =	sld [smem:$0x3FFB];
	_ =	sdelay $0x3  }
0x92: {  	_ =	strace s18  }
0x93: {  	s3 =	sld [smem:$0x3FFC];
	_ =	sdelay $0x3  }
0x94: {  	_ =	strace s3  }
0x95: {  	s3 =	sld [smem:$0x3FFD];
	_ =	sdelay $0x3  }
0x96: {  	_ =	strace s3  }
0x97: {  	_ =	strace $0x8FFFFFFF  }
0x98: {  	s19 =	sld [smem:$0x3FDB];
	_ =	sdelay $0x1  }
0x99: {  	s4 =	simm.s32 $_scs_section_size  }
0x9a: {  	s5 =	simm.s32 $_size__tile_overlayer_lowered;
	s6 =	simm.s32 $_tile_overlayer_lowered  }
0x9b: {  	s22 =	simm.s32 $0x1BFF;
	s21 =	sshll.u32 s6, $0x1;
	s3 =	sadd.s32 s4, s19  }
0x9c: {  	s7 =	simm.s32 $0x0;
	s20 =	sshll.u32 s5, $0x1;
	s5 =	sadd.s32 s21, s3  }
0x9d: {  	[timem:s7], [sflag:s22] =	dma.local [hbm:s5], s20  }
0x9e: {  	_ =	swait.ge [sflag:s22], s20  }
0x9f: {  	s4 =	ssub.s32 $0x0, s20;
	[sflag:s22] =	ssyncset.done $0x0  }
0xa0: {  	[sflag:s22] =	ssyncadd.s32 s4;
	_ =	sdelay $0x1  }
0xa1: {  	s23 =	simm.s32 $0x1B8B  }
0xa2: {  	_ =	swait.ge [sflag:s23], $0x1  }
0xa3: {  	[sflag:s23] =	ssyncset.done $0x0  }
0xa4: {  	s25 =	simm.s32 $0x1B8E;
	s24 =	sld [smem:$0x3FFE];
	[sflag:s23] =	ssyncadd.s32 $0xFFFFFFFF  }
0xa5: {  	s26 =	simm.s32 $execute0_lowered;
	[smem:$0x3FD2] =	sst s25  }
0xa6: {  	s5 =	sshll.u32 s26, $0x1;
	_ =	strace $0x80000049;
	[dreg:$0x1] =	wrdreg $0xFFFFFFFF  }
0xa7: {  	s28 =	simm.s32 $_size_execute0_lowered;
	s3 =	sadd.s32 s3, s5;
	[dreg:$0x0] =	wrdreg $0x0  }
0xa8: {  	s5 =	sshll.u32 s28, $0x1;
	[dreg:$0x2] =	wrdreg s3  }
0xa9: {  	[dreg:$0x3] =	wrdreg s5  }
0xaa: {  	[dreg:$0x4] =	wrdreg $0xC0  }
0xab: {  	_ =	task [dreg:s7], $0x5FFFF  }
0xac: {  	[dreg:$0x1] =	wrdreg $0xFFFFFFFF  }
0xad: {  	[dreg:$0x0] =	wrdreg $0x60  }
0xae: {  	[dreg:$0x2] =	wrdreg s24  }
0xaf: {  	[dreg:$0x3] =	wrdreg s2  }
0xb0: {  	[dreg:$0x4] =	wrdreg $0x9  }
0xb1: {  	_ =	task.clear_ibuf [dreg:s7], $0x5FFFF;
	_ =	strace $0x90000049  }
0xb2: {  	s29 =	simm.s32 $0x9;
	_ =	strace $0x8000004B  }
0xb3: {  	_ =	swait.ge [sflag:s29], $0x1  }
0xb4: {  	[sflag:s29] =	ssyncadd.s32 $0xFFFFFFFF  }
0xb5: {  	_ =	strace $0x9000004B  }
0xb6: {  	_ =	sfence  }
0xb7: {  	s30 =	sld [smem:$0x0];
	_ =	sdelay $0x2  }
0xb8: {  	s31 =	sshll.u32 s1, $0xD;
	s1 =	sshrl.u32 s1, $0x2  }
0xb9: {  	s3 =	sand.u32 $0x4000, s31;
	s1 =	sadd.s32 s1, s30  }
0xba: {  	s0 =	sor.u32 s3, s0;
	s1 =	sshll.u32 s1, $0x11  }
0xbb: {  	s0 =	sor.u32 s1, s0  }
0xbc: {  	s0 =	sadd.s32 $0x8F2B, s0  }
0xbd: {  	[sflag:s0] =	ssyncadd.remote.s32 $0x1  }
0xbe: {  	_ =	sfence.sel $0xFFFF  }
0xbf: {  	[dreg:$0x0] =	wrdreg $0xFFFFFFFF;
	(pc) =	sbr.abs _section_cstart, $3  }
0xc0: {  	[dreg:$0x1] =	wrdreg $0xFFFFFFFF  }
0xc1: {  	_ =	task.clear_ibuf [dreg:s7], $0x2FFFF;
	_ =	strace $0x9FFFFFFF  }
0xc2: {  	(tm) =	ssettm $0x7FFFFFFF  }
0xc3: {  	_ =	shalt  }
tec
execute0_lowered:
.L_overlay_start_1:
0x0: {  	(tag) =	ssettag $0x1  }
0x1: {  	s0 =	srdreg.scid;
	s1 =	rddreg [dreg:$0x0]  }
0x2: {  	s2 =	stileid.u32;
	s4 =	rddreg [dreg:$0x1];
	s10 =	simm.s32 $0x880  }
0x3: {  	s11 =	simm.s32 $0x1080;
	s12 =	simm.s32 $0x1880;
	s13 =	simm.s32 $0x2080  }
0x4: {  	s14 =	simm.s32 $0x2880;
	s15 =	simm.s32 $0x3080;
	s16 =	simm.s32 $0x3880  }
0x5: {  	s17 =	simm.s32 $0x4080;
	s18 =	simm.s32 $0x4880;
	s19 =	simm.s32 $0x5080  }
0x6: {  	s20 =	simm.s32 $0x5880;
	s21 =	simm.s32 $0x6080;
	s22 =	simm.s32 $0x6880  }
0x7: {  	s23 =	simm.s32 $0x7080;
	s28 =	simm.s32 $0x9080;
	s29 =	simm.s32 $0x9880  }
0x8: {  	s30 =	simm.s32 $0xA080;
	s31 =	simm.s32 $0xA880;
	s0 =	sand.u32 $0x1, s0  }
0x9: {  	s3 =	sshll.u32 s2, $0x4;
	s2 =	simm.s32 $0x0;
	s5 =	sshll.u32 s0, $0x3  }
0xa: {  	[smem:$0x7FF] =	sst s2;
	s0 =	ssub.s32 $0x2, s0;
	s3 =	sor.u32 s5, s3  }
0xb: {  	_ =	strace $0x8000004A;
	s24 =	sshrl.u32 s0, $0x1;
	s5 =	smul.u32 $0x300, s3  }
0xc: {  	s6 =	sadd.s32 s3, s1;
	s3 =	sadd.s32 $0x2800, s1;
	s0 =	ssub.s32 s0, s24  }
0xd: {  	s24 =	simm.s32 $0x7880;
	s8 =	sadd.s32 $0x2400, s6;
	s25 =	sadd.s32 $0x2600, s6  }
0xe: {  	s6 =	smax.u32 s0, $0x1;
	s0 =	simm.s32 $0x1;
	[dreg:$0x3] =	wrdreg s8  }
0xf: {  	s7 =	sadd.s32 s5, s1;
	s4 =	sadd.s32 s4, s5;
	[dreg:$0x5] =	wrdreg s25  }
0x10: {  	v2 =	vlaneseq.u32;
	s5 =	sadd.s32 $0x2A00, s1;
	s25 =	simm.s32 $0x8080;
	[dreg:$0x4] =	wrdreg s4  }
0x11: {  	vm0 =	vmmov $0xffff;
	v1 =	vshrl.u32 v2, $0x3;
	s26 =	sadd.s32 $0x92800, s7;
	s4 =	sadd.s32 $0x2900, s1;
	s7 =	simm.s32 $0x2  }
0x12: {  	v0 =	vand.u32 $0x7, v2;
	v2 =	vor.u32 $0x8, v2;
	v1 =	vmul.u32 $0x8, v1;
	s1 =	simm.s32 $0x80;
	[dreg:$0x6] =	wrdreg s26;
	s26 =	simm.s32 $0x8880  }
.LBB2_1:
0x13: {  	s9 =	rddreg [dreg:$0x3]  }
0x14: {  	[tilespmem:s2], [sflag:$0x2] =	stream.linear.gather [hbm4b:s9+s2], $0x40, $0x38;
	[tilespmem:$0xC080] =	vst v63  }
0x15: {  	_ =	swait.ge [sflag:s7], $0x40  }
0x16: {  	[sflag:s7] =	ssyncset.done $0x0  }
0x17: {  	[sflag:s7] =	ssyncadd.s32 $0xFFFFFFC0  }
0x18: {  	v3 =	vld [tilespmem:$0x0];
	_ =	sdelay $0x4  }
0x19: {  	v4 =	vshrl.u32 v3, $0x3  }
0x1a: {  	v4 =	vmul.u32 $0x30, v4  }
0x1b: {  	v3 =	vand.u32 $0x7, v3  }
0x1c: {  	v3 =	vor.u32 v3, v4  }
0x1d: {  	v4 =	vperm.xlane v3, v0;
	_ =	sdelay $0x1  }
0x1e: {  	v4 =	vadd.s32 v1, v4;
	_ =	sdelay $0x3  }
0x1f: {  	v3 =	vperm.xlane v3, v2  }
0x20: {  	[tilespmem:s1], [sflag:$0x1] =	stream.indirect_vreg.gather [hbm4b:s3+s2], $0x80, v4, vm0, $0xb8;
	[tilespmem:$0xC080] =	vst v63  }
0x21: {  	v3 =	vadd.s32 v1, v3  }
0x22: {  	[tilespmem:s10], [sflag:$0x1] =	stream.indirect_vreg.gather [hbm4b:s4+s2], $0x80, v4, vm0, $0xb8;
	[tilespmem:$0xC080] =	vst v63  }
0x23: {  	_ = 	snop  }
0x24: {  	[tilespmem:s11], [sflag:$0x1] =	stream.indirect_vreg.gather [hbm4b:s5+s2], $0x80, v4, vm0, $0xb8;
	[tilespmem:$0xC080] =	vst v63  }
0x25: {  	_ = 	snop  }
0x26: {  	[tilespmem:s12], [sflag:$0x1] =	stream.indirect_vreg.gather [hbm4b:s3+s2], $0x80, v3, vm0, $0xb8;
	[tilespmem:$0xC080] =	vst v63  }
0x27: {  	_ = 	snop  }
0x28: {  	[tilespmem:s13], [sflag:$0x1] =	stream.indirect_vreg.gather [hbm4b:s4+s2], $0x80, v3, vm0, $0xb8;
	[tilespmem:$0xC080] =	vst v63  }
0x29: {  	_ = 	snop  }
0x2a: {  	[tilespmem:s14], [sflag:$0x1] =	stream.indirect_vreg.gather [hbm4b:s5+s2], $0x80, v3, vm0, $0xb8;
	[tilespmem:$0xC080] =	vst v63  }
0x2b: {  	v3 =	vld [tilespmem:$0x10];
	_ =	sdelay $0x4  }
0x2c: {  	v57 =	vshrl.u32 v3, $0x3  }
0x2d: {  	v4 =	vmul.u32 $0x30, v57  }
0x2e: {  	v3 =	vand.u32 $0x7, v3  }
0x2f: {  	v3 =	vor.u32 v3, v4  }
0x30: {  	v4 =	vperm.xlane v3, v0;
	_ =	sdelay $0x1  }
0x31: {  	v4 =	vadd.s32 v1, v4;
	_ =	sdelay $0x3  }
0x32: {  	v3 =	vperm.xlane v3, v2  }
0x33: {  	[tilespmem:s15], [sflag:$0x1] =	stream.indirect_vreg.gather [hbm4b:s3+s2], $0x80, v4, vm0, $0xb8;
	[tilespmem:$0xC080] =	vst v63  }
0x34: {  	v3 =	vadd.s32 v1, v3  }
0x35: {  	[tilespmem:s16], [sflag:$0x1] =	stream.indirect_vreg.gather [hbm4b:s4+s2], $0x80, v4, vm0, $0xb8;
	[tilespmem:$0xC080] =	vst v63  }
0x36: {  	_ = 	snop  }
0x37: {  	[tilespmem:s17], [sflag:$0x1] =	stream.indirect_vreg.gather [hbm4b:s5+s2], $0x80, v4, vm0, $0xb8;
	[tilespmem:$0xC080] =	vst v63  }
0x38: {  	_ = 	snop  }
0x39: {  	[tilespmem:s18], [sflag:$0x1] =	stream.indirect_vreg.gather [hbm4b:s3+s2], $0x80, v3, vm0, $0xb8;
	[tilespmem:$0xC080] =	vst v63  }
0x3a: {  	_ = 	snop  }
0x3b: {  	[tilespmem:s19], [sflag:$0x1] =	stream.indirect_vreg.gather [hbm4b:s4+s2], $0x80, v3, vm0, $0xb8;
	[tilespmem:$0xC080] =	vst v63  }
0x3c: {  	_ = 	snop  }
0x3d: {  	[tilespmem:s20], [sflag:$0x1] =	stream.indirect_vreg.gather [hbm4b:s5+s2], $0x80, v3, vm0, $0xb8;
	[tilespmem:$0xC080] =	vst v63  }
0x3e: {  	v3 =	vld [tilespmem:$0x20];
	_ =	sdelay $0x4  }
0x3f: {  	v58 =	vshrl.u32 v3, $0x3  }
0x40: {  	v4 =	vmul.u32 $0x30, v58  }
0x41: {  	v3 =	vand.u32 $0x7, v3  }
0x42: {  	v3 =	vor.u32 v3, v4  }
0x43: {  	v4 =	vperm.xlane v3, v0;
	_ =	sdelay $0x1  }
0x44: {  	v4 =	vadd.s32 v1, v4;
	_ =	sdelay $0x3  }
0x45: {  	v3 =	vperm.xlane v3, v2  }
0x46: {  	[tilespmem:s21], [sflag:$0x1] =	stream.indirect_vreg.gather [hbm4b:s3+s2], $0x80, v4, vm0, $0xb8;
	[tilespmem:$0xC080] =	vst v63  }
0x47: {  	v3 =	vadd.s32 v1, v3  }
0x48: {  	[tilespmem:s22], [sflag:$0x1] =	stream.indirect_vreg.gather [hbm4b:s4+s2], $0x80, v4, vm0, $0xb8;
	[tilespmem:$0xC080] =	vst v63  }
0x49: {  	_ = 	snop  }
0x4a: {  	[tilespmem:s23], [sflag:$0x1] =	stream.indirect_vreg.gather [hbm4b:s5+s2], $0x80, v4, vm0, $0xb8;
	[tilespmem:$0xC080] =	vst v63  }
0x4b: {  	_ = 	snop  }
0x4c: {  	[tilespmem:s24], [sflag:$0x1] =	stream.indirect_vreg.gather [hbm4b:s3+s2], $0x80, v3, vm0, $0xb8;
	[tilespmem:$0xC080] =	vst v63  }
0x4d: {  	_ = 	snop  }
0x4e: {  	[tilespmem:s25], [sflag:$0x1] =	stream.indirect_vreg.gather [hbm4b:s4+s2], $0x80, v3, vm0, $0xb8;
	[tilespmem:$0xC080] =	vst v63  }
0x4f: {  	_ = 	snop  }
0x50: {  	[tilespmem:s26], [sflag:$0x1] =	stream.indirect_vreg.gather [hbm4b:s5+s2], $0x80, v3, vm0, $0xb8;
	[tilespmem:$0xC080] =	vst v63  }
0x51: {  	v3 =	vld [tilespmem:$0x30];
	_ =	sdelay $0x4  }
0x52: {  	v59 =	vshrl.u32 v3, $0x3  }
0x53: {  	v4 =	vmul.u32 $0x30, v59  }
0x54: {  	v3 =	vand.u32 $0x7, v3  }
0x55: {  	v3 =	vor.u32 v3, v4  }
0x56: {  	v4 =	vperm.xlane v3, v0;
	_ =	sdelay $0x1  }
0x57: {  	v4 =	vadd.s32 v1, v4;
	_ =	sdelay $0x3  }
0x58: {  	v3 =	vperm.xlane v3, v2  }
0x59: {  	[tilespmem:s28], [sflag:$0x1] =	stream.indirect_vreg.gather [hbm4b:s3+s2], $0x80, v4, vm0, $0xb8;
	[tilespmem:$0xC080] =	vst v63  }
0x5a: {  	v3 =	vadd.s32 v1, v3  }
0x5b: {  	[tilespmem:s29], [sflag:$0x1] =	stream.indirect_vreg.gather [hbm4b:s4+s2], $0x80, v4, vm0, $0xb8;
	[tilespmem:$0xC080] =	vst v63  }
0x5c: {  	_ = 	snop  }
0x5d: {  	[tilespmem:s30], [sflag:$0x1] =	stream.indirect_vreg.gather [hbm4b:s5+s2], $0x80, v4, vm0, $0xb8;
	[tilespmem:$0xC080] =	vst v63  }
0x5e: {  	_ = 	snop  }
0x5f: {  	[tilespmem:s31], [sflag:$0x1] =	stream.indirect_vreg.gather [hbm4b:s3+s2], $0x80, v3, vm0, $0xb8;
	[tilespmem:$0xC080] =	vst v63  }
0x60: {  	s8 =	simm.s32 $0xB080  }
0x61: {  	[tilespmem:s8], [sflag:$0x1] =	stream.indirect_vreg.gather [hbm4b:s4+s2], $0x80, v3, vm0, $0xb8;
	[tilespmem:$0xC080] =	vst v63  }
0x62: {  	s8 =	simm.s32 $0xB880  }
0x63: {  	[tilespmem:s8], [sflag:$0x1] =	stream.indirect_vreg.gather [hbm4b:s5+s2], $0x80, v3, vm0, $0xb8;
	[tilespmem:$0xC080] =	vst v63  }
0x64: {  	_ =	swait.ge [sflag:s0], $0xC000  }
0x65: {  	[sflag:s0] =	ssyncset.done $0x0  }
0x66: {  	s9 =	rddreg [dreg:$0x4];
	[sflag:s0] =	ssyncadd.s32 $0xFFFF4000  }
0x67: {  	[hbm4b:s9+s2] =	stream.linear.scatter [tilespmem:s1], [sflag:$0x2], $0xC000, $0x38;
	[tilespmem:$0xC080] =	vst v63  }
0x68: {  	_ =	swait.ge [sflag:s7], $0xC000  }
0x69: {  	[sflag:s7] =	ssyncset.done $0x0  }
0x6a: {  	s9 =	rddreg [dreg:$0x5];
	[sflag:s7] =	ssyncadd.s32 $0xFFFF4000  }
0x6b: {  	[tilespmem:s2], [sflag:$0x2] =	stream.linear.gather [hbm4b:s9+s2], $0x40, $0x38;
	[tilespmem:$0xC080] =	vst v63  }
0x6c: {  	_ =	swait.ge [sflag:s7], $0x40  }
0x6d: {  	[sflag:s7] =	ssyncset.done $0x0  }
0x6e: {  	[sflag:s7] =	ssyncadd.s32 $0xFFFFFFC0  }
0x6f: {  	v3 =	vld [tilespmem:$0x0];
	_ =	sdelay $0x4  }
0x70: {  	v60 =	vshrl.u32 v3, $0x3  }
0x71: {  	v4 =	vmul.u32 $0x30, v60  }
0x72: {  	v3 =	vand.u32 $0x7, v3  }
0x73: {  	v3 =	vor.u32 v3, v4  }
0x74: {  	v4 =	vperm.xlane v3, v0;
	_ =	sdelay $0x1  }
0x75: {  	v4 =	vadd.s32 v1, v4;
	_ =	sdelay $0x3  }
0x76: {  	v3 =	vperm.xlane v3, v2  }
0x77: {  	[tilespmem:s1], [sflag:$0x1] =	stream.indirect_vreg.gather [hbm4b:s3+s2], $0x80, v4, vm0, $0xb8;
	[tilespmem:$0xC080] =	vst v63  }
0x78: {  	v3 =	vadd.s32 v1, v3  }
0x79: {  	[tilespmem:s10], [sflag:$0x1] =	stream.indirect_vreg.gather [hbm4b:s4+s2], $0x80, v4, vm0, $0xb8;
	[tilespmem:$0xC080] =	vst v63  }
0x7a: {  	_ = 	snop  }
0x7b: {  	[tilespmem:s11], [sflag:$0x1] =	stream.indirect_vreg.gather [hbm4b:s5+s2], $0x80, v4, vm0, $0xb8;
	[tilespmem:$0xC080] =	vst v63  }
0x7c: {  	_ = 	snop  }
0x7d: {  	[tilespmem:s12], [sflag:$0x1] =	stream.indirect_vreg.gather [hbm4b:s3+s2], $0x80, v3, vm0, $0xb8;
	[tilespmem:$0xC080] =	vst v63  }
0x7e: {  	_ = 	snop  }
0x7f: {  	[tilespmem:s13], [sflag:$0x1] =	stream.indirect_vreg.gather [hbm4b:s4+s2], $0x80, v3, vm0, $0xb8;
	[tilespmem:$0xC080] =	vst v63  }
0x80: {  	_ = 	snop  }
0x81: {  	[tilespmem:s14], [sflag:$0x1] =	stream.indirect_vreg.gather [hbm4b:s5+s2], $0x80, v3, vm0, $0xb8;
	[tilespmem:$0xC080] =	vst v63  }
0x82: {  	v3 =	vld [tilespmem:$0x10];
	_ =	sdelay $0x4  }
0x83: {  	v61 =	vshrl.u32 v3, $0x3  }
0x84: {  	v4 =	vmul.u32 $0x30, v61  }
0x85: {  	v3 =	vand.u32 $0x7, v3  }
0x86: {  	v3 =	vor.u32 v3, v4  }
0x87: {  	v4 =	vperm.xlane v3, v0;
	_ =	sdelay $0x1  }
0x88: {  	v4 =	vadd.s32 v1, v4;
	_ =	sdelay $0x3  }
0x89: {  	v3 =	vperm.xlane v3, v2  }
0x8a: {  	[tilespmem:s15], [sflag:$0x1] =	stream.indirect_vreg.gather [hbm4b:s3+s2], $0x80, v4, vm0, $0xb8;
	[tilespmem:$0xC080] =	vst v63  }
0x8b: {  	v3 =	vadd.s32 v1, v3  }
0x8c: {  	[tilespmem:s16], [sflag:$0x1] =	stream.indirect_vreg.gather [hbm4b:s4+s2], $0x80, v4, vm0, $0xb8;
	[tilespmem:$0xC080] =	vst v63  }
0x8d: {  	_ = 	snop  }
0x8e: {  	[tilespmem:s17], [sflag:$0x1] =	stream.indirect_vreg.gather [hbm4b:s5+s2], $0x80, v4, vm0, $0xb8;
	[tilespmem:$0xC080] =	vst v63  }
0x8f: {  	_ = 	snop  }
0x90: {  	[tilespmem:s18], [sflag:$0x1] =	stream.indirect_vreg.gather [hbm4b:s3+s2], $0x80, v3, vm0, $0xb8;
	[tilespmem:$0xC080] =	vst v63  }
0x91: {  	_ = 	snop  }
0x92: {  	[tilespmem:s19], [sflag:$0x1] =	stream.indirect_vreg.gather [hbm4b:s4+s2], $0x80, v3, vm0, $0xb8;
	[tilespmem:$0xC080] =	vst v63  }
0x93: {  	_ = 	snop  }
0x94: {  	[tilespmem:s20], [sflag:$0x1] =	stream.indirect_vreg.gather [hbm4b:s5+s2], $0x80, v3, vm0, $0xb8;
	[tilespmem:$0xC080] =	vst v63  }
0x95: {  	v3 =	vld [tilespmem:$0x20];
	_ =	sdelay $0x4  }
0x96: {  	v62 =	vshrl.u32 v3, $0x3  }
0x97: {  	v4 =	vmul.u32 $0x30, v62  }
0x98: {  	v3 =	vand.u32 $0x7, v3  }
0x99: {  	v3 =	vor.u32 v3, v4  }
0x9a: {  	v4 =	vperm.xlane v3, v0;
	_ =	sdelay $0x1  }
0x9b: {  	v4 =	vadd.s32 v1, v4;
	_ =	sdelay $0x3  }
0x9c: {  	v3 =	vperm.xlane v3, v2  }
0x9d: {  	[tilespmem:s21], [sflag:$0x1] =	stream.indirect_vreg.gather [hbm4b:s3+s2], $0x80, v4, vm0, $0xb8;
	[tilespmem:$0xC080] =	vst v63  }
0x9e: {  	v3 =	vadd.s32 v1, v3  }
0x9f: {  	[tilespmem:s22], [sflag:$0x1] =	stream.indirect_vreg.gather [hbm4b:s4+s2], $0x80, v4, vm0, $0xb8;
	[tilespmem:$0xC080] =	vst v63  }
0xa0: {  	_ = 	snop  }
0xa1: {  	[tilespmem:s23], [sflag:$0x1] =	stream.indirect_vreg.gather [hbm4b:s5+s2], $0x80, v4, vm0, $0xb8;
	[tilespmem:$0xC080] =	vst v63  }
0xa2: {  	_ = 	snop  }
0xa3: {  	[tilespmem:s24], [sflag:$0x1] =	stream.indirect_vreg.gather [hbm4b:s3+s2], $0x80, v3, vm0, $0xb8;
	[tilespmem:$0xC080] =	vst v63  }
0xa4: {  	_ = 	snop  }
0xa5: {  	[tilespmem:s25], [sflag:$0x1] =	stream.indirect_vreg.gather [hbm4b:s4+s2], $0x80, v3, vm0, $0xb8;
	[tilespmem:$0xC080] =	vst v63  }
0xa6: {  	_ = 	snop  }
0xa7: {  	[tilespmem:s26], [sflag:$0x1] =	stream.indirect_vreg.gather [hbm4b:s5+s2], $0x80, v3, vm0, $0xb8;
	[tilespmem:$0xC080] =	vst v63  }
0xa8: {  	v3 =	vld [tilespmem:$0x30];
	_ =	sdelay $0x4  }
0xa9: {  	v63 =	vshrl.u32 v3, $0x3  }
0xaa: {  	v4 =	vmul.u32 $0x30, v63  }
0xab: {  	v3 =	vand.u32 $0x7, v3  }
0xac: {  	v3 =	vor.u32 v3, v4  }
0xad: {  	v4 =	vperm.xlane v3, v0;
	_ =	sdelay $0x1  }
0xae: {  	v4 =	vadd.s32 v1, v4;
	_ =	sdelay $0x3  }
0xaf: {  	v3 =	vperm.xlane v3, v2  }
0xb0: {  	[tilespmem:s28], [sflag:$0x1] =	stream.indirect_vreg.gather [hbm4b:s3+s2], $0x80, v4, vm0, $0xb8;
	[tilespmem:$0xC080] =	vst v63  }
0xb1: {  	v3 =	vadd.s32 v1, v3  }
0xb2: {  	[tilespmem:s29], [sflag:$0x1] =	stream.indirect_vreg.gather [hbm4b:s4+s2], $0x80, v4, vm0, $0xb8;
	[tilespmem:$0xC080] =	vst v63  }
0xb3: {  	_ = 	snop  }
0xb4: {  	[tilespmem:s30], [sflag:$0x1] =	stream.indirect_vreg.gather [hbm4b:s5+s2], $0x80, v4, vm0, $0xb8;
	[tilespmem:$0xC080] =	vst v63  }
0xb5: {  	_ = 	snop  }
0xb6: {  	[tilespmem:s31], [sflag:$0x1] =	stream.indirect_vreg.gather [hbm4b:s3+s2], $0x80, v3, vm0, $0xb8;
	[tilespmem:$0xC080] =	vst v63  }
0xb7: {  	s9 =	simm.s32 $0xB080  }
0xb8: {  	[tilespmem:s9], [sflag:$0x1] =	stream.indirect_vreg.gather [hbm4b:s4+s2], $0x80, v3, vm0, $0xb8;
	[tilespmem:$0xC080] =	vst v63  }
0xb9: {  	_ = 	snop  }
0xba: {  	[tilespmem:s8], [sflag:$0x1] =	stream.indirect_vreg.gather [hbm4b:s5+s2], $0x80, v3, vm0, $0xb8;
	[tilespmem:$0xC080] =	vst v63  }
0xbb: {  	_ =	swait.ge [sflag:s0], $0xC000  }
0xbc: {  	p0 =	sne.s32 s6, $0x1;
	[sflag:s0] =	ssyncset.done $0x0  }
.Ltmp0:
0xbd: {  	s8 =	rddreg [dreg:$0x6];
	[sflag:s0] =	ssyncadd.s32 $0xFFFF4000;
	(pc) =	sbr.rel @p0 .LBB2_1-.Ltmp0, $4  }
0xbe: {  	[hbm4b:s8+s2] =	stream.linear.scatter [tilespmem:s1], [sflag:$0x2], $0xC000, $0x38;
	[tilespmem:$0xC080] =	vst v63  }
0xbf: {  	_ =	swait.ge [sflag:s7], $0xC000  }
0xc0: {  	[sflag:s7] =	ssyncset.done $0x0  }
0xc1: {  	s6 =	sadd.s32 $0xFFFFFFFF, s6;
	[sflag:s7] =	ssyncadd.s32 $0xFFFF4000  }
0xc2: {  	_ =	sfence.sel $0x180000  }
0xc3: {  	[bflag:$0x0] =	sbarrier.arrive $0xFFFF  }
0xc4: {  	_ =	strace $0x9000004A  }
0xc5: {  	s0 =	stileid.u32;
	[bflag:$0x2] =	sbarrier.arrive $0xFFFF  }
0xc6: {  	p0 =	sne.s32 s0, $0x0;
	s0 =	rddreg [dreg:$0x2]  }
0xc7: {  	s0 =	sadd.s32 @!p0 $0x100000, s0  }
0xc8: {  	[sflag:s0] =	ssyncadd.tile.s32 @!p0 $0x1;
	_ =	shalt  }
.Lfunc_end2:
_tile_overlayer_lowered:
.L_overlay_start_2:
0xc9: {  	(tag) =	ssettag $0x2  }
0xca: {  	s0 =	rddreg [dreg:$0x0];
	s2 =	stileid.u32  }
0xcb: {  	s1 =	rddreg [dreg:$0x1];
	p0 =	sne.s32 s2, $0x0  }
0xcc: {  	s3 =	rddreg [dreg:$0x2];
	[bflag:$0x3] =	sbarrier.arrive $0xFFFF;
	s2 =	simm.s32 @!p0 $0x1C02  }
0xcd: {  	[timem:s3], [sflag:s2] =	dma.local @!p0 [hbm:s0], s1  }
0xce: {  	s0 =	simm.s32 @!p0 $0x2  }
0xcf: {  	_ =	swait.ge @!p0 [sflag:s0], s1  }
0xd0: {  	s1 =	ssub.s32 @!p0 $0x0, s1;
	[sflag:s0] =	ssyncset.done @!p0 $0x0  }
0xd1: {  	[sflag:s0] =	ssyncadd.s32 @!p0 s1  }
0xd2: {  	[bflag:$0x3] =	sbarrier.arrive $0xFFFF  }
0xd3: {  	_ =	shalt  }

// kernel: kernel.7.cloned.1.call-start
scs
__scs_entry_jumppad:
0x0: {  	(pc) =	sbr.rel $0x88, $3  }
0x1: {  	(tag) =	ssettag $0x0;
	lr =	simm.s32 $0x1  }
0x2: {  	[smem:$0x3F98] =	sst lr;
	_ =	strace $0xD0000000  }
0x3: {  	_ = 	snop  }
0x4: {  	_ = 	snop  }
0x5: {  	_ = 	snop  }
0x6: {  	_ = 	snop  }
0x7: {  	_ = 	snop  }
__scs_overlays_trampoline_lowered:
0x8: {  	[smem:$0x3FA7] =	sst s0  }
0x9: {  	[smem:$0x3FA8] =	sst s1  }
0xa: {  	[smem:$0x3FA9] =	sst s2  }
0xb: {  	[smem:$0x3FAA] =	sst s3  }
0xc: {  	[smem:$0x3FAB] =	sst s4  }
0xd: {  	[smem:$0x3FAC] =	sst s5  }
0xe: {  	[smem:$0x3FAD] =	sst s6  }
0xf: {  	[smem:$0x3FAE] =	sst s7  }
0x10: {  	[smem:$0x3FAF] =	sst s8  }
0x11: {  	[smem:$0x3FB0] =	sst s9;
	s0 =	simm.s32 @!p0 $0x0  }
0x12: {  	s1 =	sld [smem:$0x3F96];
	s0 =	simm.s32 @p0 $0x1  }
0x13: {  	[smem:$0x3FB1] =	sst s0;
	s0 =	simm.s32 @!p1 $0x0  }
0x14: {  	s2 =	sld [smem:$0x3F95];
	s0 =	simm.s32 @p1 $0x1  }
0x15: {  	[smem:$0x3FB2] =	sst s0;
	s0 =	simm.s32 @!p2 $0x0  }
0x16: {  	s3 =	sld [smem:$0x3FDB];
	s0 =	simm.s32 @p2 $0x1  }
0x17: {  	s4 =	simm.s32 $0x1BF5;
	[smem:$0x3FB4] =	sst s0  }
0x18: {  	s0 =	sld [smem:$0x3F97];
	_ =	swait.ge [sflag:s4], $0x0  }
0x19: {  	s7 =	sld [smem:$0x3F98]  }
0x1a: {  	s8 =	sadd.s32 $0xFFFFE003, lr  }
0x1b: {  	s9 =	sadd.s32 $0xFFFFFEF7, lr;
	s5 =	simm.s32 $0xFFFFFFFF;
	p2 =	slt.u32 s8, $0xFFFFF086  }
0x1c: {  	p1 =	slt.u32 s9, $0xF7A;
	s5 =	simm.s32 @!p2 $0x0  }
0x1d: {  	s5 =	simm.s32 @p1 $0x1;
	p0 =	seq.s32 s7, s2  }
0x1e: {  	s7 =	smul.u32 @!p0 $0xF7A, s2;
	p2 =	seq.s32 @!p0 s5, $0x0  }
0x1f: {  	s9 =	smul.u32 $0xF7A, s1;
	s8 =	simm.s32 @!p0 $0x1BF5;
	p2 =	por !p2, p0  }
0x20: {  	[sflag:s8] =	ssyncset.s32 @!p0 $0xFFFFF086;
	s6 =	sadd.s32 @!p0 s3, s7;
	s7 =	simm.s32 @!p0 $0x108  }
0x21: {  	s3 =	sadd.s32 s3, s9;
	s6 =	sadd.s32 @!p0 $0x88, s6;
	s7 =	simm.s32 @p2 $0x1082  }
0x22: {  	[simem:s7], [sflag:s8] =	dma.local @!p0 [hbm:s6], $0xF7A  }
0x23: {  	s9 =	sor.u32 $0xD0000000, s2;
	s6 =	simm.s32 $0x108;
	_ =	swait.ge @!p0 [sflag:s8], $0x0  }
0x24: {  	s3 =	sadd.s32 $0x88, s3;
	s6 =	simm.s32 @!p1 $0x1082;
	[sflag:s4] =	ssyncset.s32 $0xFFFFF086  }
0x25: {  	[simem:s6], [sflag:s4] =	dma.local [hbm:s3], $0xF7A  }
0x26: {  	[smem:$0x3F98] =	sst s1;
	(tag) =	ssettag s2;
	_ =	strace s9  }
0x27: {  	s1 =	sld [smem:$0x3FA8]  }
0x28: {  	s2 =	sld [smem:$0x3FA9]  }
0x29: {  	s4 =	sld [smem:$0x3FAB]  }
0x2a: {  	p0 =	seq.s32 s5, $0x0;
	s5 =	sld [smem:$0x3FAC]  }
0x2b: {  	s6 =	sld [smem:$0x3FAD]  }
0x2c: {  	s7 =	sld [smem:$0x3FAE]  }
0x2d: {  	s3 =	simm.s32 $0x108;
	s8 =	sld [smem:$0x3FAF]  }
0x2e: {  	s3 =	simm.s32 @!p0 $0x1082;
	s9 =	sld [smem:$0x3FB0]  }
0x2f: {  	lr =	sadd.s32 s0, s3;
	s0 =	sld [smem:$0x3FA7]  }
0x30: {  	s3 =	sld [smem:$0x3FAA]  }
0x31: {  	[smem:$0x3FB3] =	sst s10  }
0x32: {  	s10 =	sld [smem:$0x3FB1];
	_ =	sdelay $0x3  }
0x33: {  	p0 =	seq.s32 s10, $0x1;
	s10 =	sld [smem:$0x3FB3];
	_ =	sdelay $0x3  }
0x34: {  	[smem:$0x3FB3] =	sst s10  }
0x35: {  	s10 =	sld [smem:$0x3FB2];
	_ =	sdelay $0x3  }
0x36: {  	p1 =	seq.s32 s10, $0x1;
	s10 =	sld [smem:$0x3FB3];
	_ =	sdelay $0x3  }
0x37: {  	[smem:$0x3FB3] =	sst s10  }
0x38: {  	s10 =	sld [smem:$0x3FB4]  }
0x39: {  	_ = 	snop;
	(pc) =	sbr.ind lr, $3  }
0x3a: {  	_ = 	snop  }
0x3b: {  	_ = 	snop  }
0x3c: {  	p2 =	seq.s32 s10, $0x1;
	s10 =	sld [smem:$0x3FB3]  }
0x3d: {  	_ =	shalt  }
0x3e: {  	_ =	shalt  }
0x3f: {  	_ =	shalt  }
0x40: {  	_ =	shalt  }
0x41: {  	_ =	shalt  }
0x42: {  	_ =	shalt  }
0x43: {  	_ =	shalt  }
0x44: {  	_ =	shalt  }
0x45: {  	_ =	shalt  }
0x46: {  	_ =	shalt  }
0x47: {  	_ =	shalt  }
0x48: {  	_ =	shalt  }
0x49: {  	_ =	shalt  }
0x4a: {  	_ =	shalt  }
0x4b: {  	_ =	shalt  }
0x4c: {  	_ =	shalt  }
0x4d: {  	_ =	shalt  }
0x4e: {  	_ =	shalt  }
0x4f: {  	_ =	shalt  }
0x50: {  	_ =	shalt  }
0x51: {  	_ =	shalt  }
0x52: {  	_ =	shalt  }
0x53: {  	_ =	shalt  }
0x54: {  	_ =	shalt  }
0x55: {  	_ =	shalt  }
0x56: {  	_ =	shalt  }
0x57: {  	_ =	shalt  }
0x58: {  	_ =	shalt  }
0x59: {  	_ =	shalt  }
0x5a: {  	_ =	shalt  }
0x5b: {  	_ =	shalt  }
0x5c: {  	_ =	shalt  }
0x5d: {  	_ =	shalt  }
0x5e: {  	_ =	shalt  }
0x5f: {  	_ =	shalt  }
0x60: {  	_ =	shalt  }
0x61: {  	_ =	shalt  }
0x62: {  	_ =	shalt  }
0x63: {  	_ =	shalt  }
0x64: {  	_ =	shalt  }
0x65: {  	_ =	shalt  }
0x66: {  	_ =	shalt  }
0x67: {  	_ =	shalt  }
0x68: {  	_ =	shalt  }
0x69: {  	_ =	shalt  }
0x6a: {  	_ =	shalt  }
0x6b: {  	_ =	shalt  }
0x6c: {  	_ =	shalt  }
0x6d: {  	_ =	shalt  }
0x6e: {  	_ =	shalt  }
0x6f: {  	_ =	shalt  }
0x70: {  	_ =	shalt  }
0x71: {  	_ =	shalt  }
0x72: {  	_ =	shalt  }
0x73: {  	_ =	shalt  }
0x74: {  	_ =	shalt  }
0x75: {  	_ =	shalt  }
0x76: {  	_ =	shalt  }
0x77: {  	_ =	shalt  }
0x78: {  	_ =	shalt  }
0x79: {  	_ =	shalt  }
0x7a: {  	_ =	shalt  }
0x7b: {  	_ =	shalt  }
0x7c: {  	_ =	shalt  }
0x7d: {  	_ =	shalt  }
0x7e: {  	_ =	shalt  }
0x7f: {  	_ =	shalt  }
0x80: {  	_ =	shalt  }
0x81: {  	_ =	shalt  }
0x82: {  	_ =	shalt  }
0x83: {  	_ =	shalt  }
0x84: {  	_ =	shalt  }
0x85: {  	_ =	shalt  }
0x86: {  	_ =	shalt  }
0x87: {  	_ =	shalt  }
.Lfunc_end0:
.L_simem_size_0:
called_computation_lowered:
.L_overlay_start_0:
0x88: {  	s2 =	sld [smem:$0x3FD9]  }
0x89: {  	s3 =	sld [smem:$0x3FFE];
	_ =	sdelay $0x1  }
0x8a: {  	s1 =	srdreg.scid  }
0x8b: {  	s0 =	sand.u32 $0x1, s1  }
0x8c: {  	s17 =	sshll.u32 s0, $0xA;
	s2 =	sadd.s32 s3, s2  }
0x8d: {  	s2 =	sadd.s32 s2, s17  }
0x8e: {  	[smem:$0x3FBF] =	sst s2  }
0x8f: {  	_ = 	snop  }
0x90: {  	s2 =	sld [smem:$0x3FC9];
	(tm) =	ssettm $0x1  }
0x91: {  	s18 =	sld [smem:$0x3FFB];
	_ =	sdelay $0x3  }
0x92: {  	_ =	strace s18  }
0x93: {  	s3 =	sld [smem:$0x3FFC];
	_ =	sdelay $0x3  }
0x94: {  	_ =	strace s3  }
0x95: {  	s3 =	sld [smem:$0x3FFD];
	_ =	sdelay $0x3  }
0x96: {  	_ =	strace s3  }
0x97: {  	_ =	strace $0x8FFFFFFF  }
0x98: {  	s19 =	sld [smem:$0x3FDB];
	_ =	sdelay $0x1  }
0x99: {  	s4 =	simm.s32 $_scs_section_size  }
0x9a: {  	s5 =	simm.s32 $_size__tile_overlayer_lowered;
	s6 =	simm.s32 $_tile_overlayer_lowered  }
0x9b: {  	s22 =	simm.s32 $0x1BFF;
	s21 =	sshll.u32 s6, $0x1;
	s3 =	sadd.s32 s4, s19  }
0x9c: {  	s7 =	simm.s32 $0x0;
	s20 =	sshll.u32 s5, $0x1;
	s5 =	sadd.s32 s21, s3  }
0x9d: {  	[timem:s7], [sflag:s22] =	dma.local [hbm:s5], s20  }
0x9e: {  	_ =	swait.ge [sflag:s22], s20  }
0x9f: {  	s4 =	ssub.s32 $0x0, s20;
	[sflag:s22] =	ssyncset.done $0x0  }
0xa0: {  	[sflag:s22] =	ssyncadd.s32 s4;
	_ =	sdelay $0x1  }
0xa1: {  	s23 =	simm.s32 $0x1B8B  }
0xa2: {  	_ =	swait.ge [sflag:s23], $0x1  }
0xa3: {  	[sflag:s23] =	ssyncset.done $0x0  }
0xa4: {  	s25 =	simm.s32 $0x1B8E;
	s24 =	sld [smem:$0x3FFE];
	[sflag:s23] =	ssyncadd.s32 $0xFFFFFFFF  }
0xa5: {  	s26 =	simm.s32 $execute0_lowered;
	[smem:$0x3FD2] =	sst s25  }
0xa6: {  	s5 =	sshll.u32 s26, $0x1;
	_ =	strace $0x80000046;
	[dreg:$0x1] =	wrdreg $0xFFFFFFFF  }
0xa7: {  	s28 =	simm.s32 $_size_execute0_lowered;
	s3 =	sadd.s32 s3, s5;
	[dreg:$0x0] =	wrdreg $0x0  }
0xa8: {  	s5 =	sshll.u32 s28, $0x1;
	[dreg:$0x2] =	wrdreg s3  }
0xa9: {  	[dreg:$0x3] =	wrdreg s5  }
0xaa: {  	[dreg:$0x4] =	wrdreg $0xC0  }
0xab: {  	_ =	task [dreg:s7], $0x5FFFF  }
0xac: {  	[dreg:$0x1] =	wrdreg $0xFFFFFFFF  }
0xad: {  	[dreg:$0x0] =	wrdreg $0x60  }
0xae: {  	[dreg:$0x2] =	wrdreg s2  }
0xaf: {  	[dreg:$0x3] =	wrdreg s24  }
0xb0: {  	[dreg:$0x4] =	wrdreg $0x9  }
0xb1: {  	_ =	task.clear_ibuf [dreg:s7], $0x5FFFF;
	_ =	strace $0x90000046  }
0xb2: {  	s29 =	simm.s32 $0x9;
	_ =	strace $0x80000048  }
0xb3: {  	_ =	swait.ge [sflag:s29], $0x1  }
0xb4: {  	[sflag:s29] =	ssyncadd.s32 $0xFFFFFFFF  }
0xb5: {  	_ =	strace $0x90000048  }
0xb6: {  	_ =	sfence  }
0xb7: {  	s30 =	sld [smem:$0x0];
	_ =	sdelay $0x2  }
0xb8: {  	s31 =	sshll.u32 s1, $0xD;
	s1 =	sshrl.u32 s1, $0x2  }
0xb9: {  	s3 =	sand.u32 $0x4000, s31;
	s1 =	sadd.s32 s1, s30  }
0xba: {  	s0 =	sor.u32 s3, s0;
	s1 =	sshll.u32 s1, $0x11  }
0xbb: {  	s0 =	sor.u32 s1, s0  }
0xbc: {  	s0 =	sadd.s32 $0x8F2B, s0  }
0xbd: {  	[sflag:s0] =	ssyncadd.remote.s32 $0x1  }
0xbe: {  	_ =	sfence.sel $0xFFFF  }
0xbf: {  	[dreg:$0x0] =	wrdreg $0xFFFFFFFF;
	(pc) =	sbr.abs _section_cstart, $3  }
0xc0: {  	[dreg:$0x1] =	wrdreg $0xFFFFFFFF  }
0xc1: {  	_ =	task.clear_ibuf [dreg:s7], $0x2FFFF;
	_ =	strace $0x9FFFFFFF  }
0xc2: {  	(tm) =	ssettm $0x7FFFFFFF  }
0xc3: {  	_ =	shalt  }
tec
execute0_lowered:
.L_overlay_start_1:
0x0: {  	(tag) =	ssettag $0x1  }
0x1: {  	s0 =	rddreg [dreg:$0x0]  }
0x2: {  	s1 =	rddreg [dreg:$0x1]  }
0x3: {  	s2 =	srdreg.scid;
	s3 =	stileid.u32  }
0x4: {  	s26 =	simm.s32 $0x80;
	s8 =	simm.s32 $0x100;
	s11 =	simm.s32 $0x1900  }
0x5: {  	s12 =	simm.s32 $0x2100;
	s13 =	simm.s32 $0x2900;
	s14 =	simm.s32 $0x3100  }
0x6: {  	s15 =	simm.s32 $0x3900;
	s16 =	simm.s32 $0x4100;
	s17 =	simm.s32 $0x4900  }
0x7: {  	s18 =	simm.s32 $0x5100;
	s19 =	simm.s32 $0x5900;
	s20 =	simm.s32 $0x6100  }
0x8: {  	s21 =	simm.s32 $0x6900;
	s22 =	simm.s32 $0x7100;
	s23 =	simm.s32 $0x7900  }
0x9: {  	s28 =	simm.s32 $0x9900;
	s29 =	simm.s32 $0xA100;
	s30 =	simm.s32 $0xA900  }
0xa: {  	s31 =	simm.s32 $0xB100;
	s4 =	sand.u32 $0x1, s2;
	s2 =	simm.s32 $0x0  }
0xb: {  	s3 =	sshll.u32 s3, $0x4;
	s5 =	sshll.u32 s4, $0x3;
	[smem:$0x7FF] =	sst s2  }
0xc: {  	s4 =	ssub.s32 $0x2, s4;
	s5 =	sor.u32 s5, s3;
	_ =	strace $0x80000047  }
0xd: {  	s3 =	sadd.s32 $0x2800, s1;
	s24 =	sshrl.u32 s4, $0x1;
	[dreg:$0x6] =	wrdreg s26  }
0xe: {  	s26 =	simm.s32 $0x9100;
	s6 =	sadd.s32 s5, s1;
	s5 =	smul.u32 $0x300, s5  }
0xf: {  	s25 =	ssub.s32 s4, s24;
	s4 =	sadd.s32 $0x2900, s1;
	s7 =	sadd.s32 $0x2400, s6  }
0x10: {  	s24 =	simm.s32 $0x8100;
	s6 =	sadd.s32 $0x2600, s6;
	[dreg:$0x3] =	wrdreg s7  }
0x11: {  	v2 =	vlaneseq.u32;
	[dreg:$0x4] =	wrdreg s6;
	s0 =	sadd.s32 s0, s5;
	s5 =	sadd.s32 $0x2A00, s1  }
0x12: {  	vm0 =	vmmov $0xffff;
	v1 =	vshrl.u32 v2, $0x3;
	s6 =	smax.u32 s25, $0x1;
	s7 =	simm.s32 $0x2;
	s25 =	simm.s32 $0x8900  }
0x13: {  	v0 =	vand.u32 $0x7, v2;
	v2 =	vor.u32 $0x8, v2;
	v1 =	vmul.u32 $0x8, v1;
	s1 =	simm.s32 $0x1;
	[dreg:$0x5] =	wrdreg s0;
	s0 =	simm.s32 $0xB900  }
.LBB2_1:
0x14: {  	s9 =	rddreg [dreg:$0x3]  }
0x15: {  	[tilespmem:s2], [sflag:$0x2] =	stream.linear.gather [hbm4b:s9+s2], $0x40, $0x38;
	[tilespmem:$0xC100] =	vst v63  }
0x16: {  	_ =	swait.ge [sflag:s7], $0x40  }
0x17: {  	s9 =	rddreg [dreg:$0x4];
	[sflag:s7] =	ssyncset.done $0x0  }
0x18: {  	s10 =	rddreg [dreg:$0x6];
	[sflag:s7] =	ssyncadd.s32 $0xFFFFFFC0  }
0x19: {  	[tilespmem:s10], [sflag:$0x2] =	stream.linear.gather [hbm4b:s9+s2], $0x40, $0x38;
	[tilespmem:$0xC100] =	vst v63  }
0x1a: {  	_ =	swait.ge [sflag:s7], $0x40  }
0x1b: {  	[sflag:s7] =	ssyncset.done $0x0  }
0x1c: {  	s10 =	rddreg [dreg:$0x5];
	[sflag:s7] =	ssyncadd.s32 $0xFFFFFFC0  }
0x1d: {  	[tilespmem:s8], [sflag:$0x2] =	stream.linear.gather [hbm4b:s10+s2], $0xC000, $0x38;
	[tilespmem:$0xC100] =	vst v63  }
0x1e: {  	_ =	swait.ge [sflag:s7], $0xC000  }
0x1f: {  	[sflag:s7] =	ssyncset.done $0x0  }
0x20: {  	[sflag:s7] =	ssyncadd.s32 $0xFFFF4000  }
0x21: {  	v3 =	vld [tilespmem:$0x0];
	_ =	sdelay $0x4  }
0x22: {  	v4 =	vshrl.u32 v3, $0x3  }
0x23: {  	v4 =	vmul.u32 $0x30, v4  }
0x24: {  	v3 =	vand.u32 $0x7, v3  }
0x25: {  	v3 =	vor.u32 v3, v4  }
0x26: {  	v4 =	vperm.xlane v3, v0;
	_ =	sdelay $0x1  }
0x27: {  	v4 =	vadd.s32 v1, v4;
	_ =	sdelay $0x3  }
0x28: {  	v3 =	vperm.xlane v3, v2  }
0x29: {  	[hbm4b:s3+s2] =	stream.indirect_vreg.scatter [tilespmem:s8], [sflag:$0x1], $0x80, v4, vm0, $0xb8;
	[tilespmem:$0xC100] =	vst v63  }
0x2a: {  	s9 =	simm.s32 $0x900;
	v3 =	vadd.s32 v1, v3  }
0x2b: {  	[hbm4b:s4+s2] =	stream.indirect_vreg.scatter [tilespmem:s9], [sflag:$0x1], $0x80, v4, vm0, $0xb8;
	[tilespmem:$0xC100] =	vst v63  }
0x2c: {  	s10 =	simm.s32 $0x1100  }
0x2d: {  	[hbm4b:s5+s2] =	stream.indirect_vreg.scatter [tilespmem:s10], [sflag:$0x1], $0x80, v4, vm0, $0xb8;
	[tilespmem:$0xC100] =	vst v63  }
0x2e: {  	_ = 	snop  }
0x2f: {  	[hbm4b:s3+s2] =	stream.indirect_vreg.scatter [tilespmem:s11], [sflag:$0x1], $0x80, v3, vm0, $0xb8;
	[tilespmem:$0xC100] =	vst v63  }
0x30: {  	_ = 	snop  }
0x31: {  	[hbm4b:s4+s2] =	stream.indirect_vreg.scatter [tilespmem:s12], [sflag:$0x1], $0x80, v3, vm0, $0xb8;
	[tilespmem:$0xC100] =	vst v63  }
0x32: {  	_ = 	snop  }
0x33: {  	[hbm4b:s5+s2] =	stream.indirect_vreg.scatter [tilespmem:s13], [sflag:$0x1], $0x80, v3, vm0, $0xb8;
	[tilespmem:$0xC100] =	vst v63  }
0x34: {  	v3 =	vld [tilespmem:$0x10];
	_ =	sdelay $0x4  }
0x35: {  	v57 =	vshrl.u32 v3, $0x3  }
0x36: {  	v4 =	vmul.u32 $0x30, v57  }
0x37: {  	v3 =	vand.u32 $0x7, v3  }
0x38: {  	v3 =	vor.u32 v3, v4  }
0x39: {  	v4 =	vperm.xlane v3, v0;
	_ =	sdelay $0x1  }
0x3a: {  	v4 =	vadd.s32 v1, v4;
	_ =	sdelay $0x3  }
0x3b: {  	v3 =	vperm.xlane v3, v2  }
0x3c: {  	[hbm4b:s3+s2] =	stream.indirect_vreg.scatter [tilespmem:s14], [sflag:$0x1], $0x80, v4, vm0, $0xb8;
	[tilespmem:$0xC100] =	vst v63  }
0x3d: {  	v3 =	vadd.s32 v1, v3  }
0x3e: {  	[hbm4b:s4+s2] =	stream.indirect_vreg.scatter [tilespmem:s15], [sflag:$0x1], $0x80, v4, vm0, $0xb8;
	[tilespmem:$0xC100] =	vst v63  }
0x3f: {  	_ = 	snop  }
0x40: {  	[hbm4b:s5+s2] =	stream.indirect_vreg.scatter [tilespmem:s16], [sflag:$0x1], $0x80, v4, vm0, $0xb8;
	[tilespmem:$0xC100] =	vst v63  }
0x41: {  	_ = 	snop  }
0x42: {  	[hbm4b:s3+s2] =	stream.indirect_vreg.scatter [tilespmem:s17], [sflag:$0x1], $0x80, v3, vm0, $0xb8;
	[tilespmem:$0xC100] =	vst v63  }
0x43: {  	_ = 	snop  }
0x44: {  	[hbm4b:s4+s2] =	stream.indirect_vreg.scatter [tilespmem:s18], [sflag:$0x1], $0x80, v3, vm0, $0xb8;
	[tilespmem:$0xC100] =	vst v63  }
0x45: {  	_ = 	snop  }
0x46: {  	[hbm4b:s5+s2] =	stream.indirect_vreg.scatter [tilespmem:s19], [sflag:$0x1], $0x80, v3, vm0, $0xb8;
	[tilespmem:$0xC100] =	vst v63  }
0x47: {  	v3 =	vld [tilespmem:$0x20];
	_ =	sdelay $0x4  }
0x48: {  	v58 =	vshrl.u32 v3, $0x3  }
0x49: {  	v4 =	vmul.u32 $0x30, v58  }
0x4a: {  	v3 =	vand.u32 $0x7, v3  }
0x4b: {  	v3 =	vor.u32 v3, v4  }
0x4c: {  	v4 =	vperm.xlane v3, v0;
	_ =	sdelay $0x1  }
0x4d: {  	v4 =	vadd.s32 v1, v4;
	_ =	sdelay $0x3  }
0x4e: {  	v3 =	vperm.xlane v3, v2  }
0x4f: {  	[hbm4b:s3+s2] =	stream.indirect_vreg.scatter [tilespmem:s20], [sflag:$0x1], $0x80, v4, vm0, $0xb8;
	[tilespmem:$0xC100] =	vst v63  }
0x50: {  	v3 =	vadd.s32 v1, v3  }
0x51: {  	[hbm4b:s4+s2] =	stream.indirect_vreg.scatter [tilespmem:s21], [sflag:$0x1], $0x80, v4, vm0, $0xb8;
	[tilespmem:$0xC100] =	vst v63  }
0x52: {  	_ = 	snop  }
0x53: {  	[hbm4b:s5+s2] =	stream.indirect_vreg.scatter [tilespmem:s22], [sflag:$0x1], $0x80, v4, vm0, $0xb8;
	[tilespmem:$0xC100] =	vst v63  }
0x54: {  	_ = 	snop  }
0x55: {  	[hbm4b:s3+s2] =	stream.indirect_vreg.scatter [tilespmem:s23], [sflag:$0x1], $0x80, v3, vm0, $0xb8;
	[tilespmem:$0xC100] =	vst v63  }
0x56: {  	_ = 	snop  }
0x57: {  	[hbm4b:s4+s2] =	stream.indirect_vreg.scatter [tilespmem:s24], [sflag:$0x1], $0x80, v3, vm0, $0xb8;
	[tilespmem:$0xC100] =	vst v63  }
0x58: {  	_ = 	snop  }
0x59: {  	[hbm4b:s5+s2] =	stream.indirect_vreg.scatter [tilespmem:s25], [sflag:$0x1], $0x80, v3, vm0, $0xb8;
	[tilespmem:$0xC100] =	vst v63  }
0x5a: {  	v3 =	vld [tilespmem:$0x30];
	_ =	sdelay $0x4  }
0x5b: {  	v59 =	vshrl.u32 v3, $0x3  }
0x5c: {  	v4 =	vmul.u32 $0x30, v59  }
0x5d: {  	v3 =	vand.u32 $0x7, v3  }
0x5e: {  	v3 =	vor.u32 v3, v4  }
0x5f: {  	v4 =	vperm.xlane v3, v0;
	_ =	sdelay $0x1  }
0x60: {  	v4 =	vadd.s32 v1, v4;
	_ =	sdelay $0x3  }
0x61: {  	v3 =	vperm.xlane v3, v2  }
0x62: {  	[hbm4b:s3+s2] =	stream.indirect_vreg.scatter [tilespmem:s26], [sflag:$0x1], $0x80, v4, vm0, $0xb8;
	[tilespmem:$0xC100] =	vst v63  }
0x63: {  	v3 =	vadd.s32 v1, v3  }
0x64: {  	[hbm4b:s4+s2] =	stream.indirect_vreg.scatter [tilespmem:s28], [sflag:$0x1], $0x80, v4, vm0, $0xb8;
	[tilespmem:$0xC100] =	vst v63  }
0x65: {  	_ = 	snop  }
0x66: {  	[hbm4b:s5+s2] =	stream.indirect_vreg.scatter [tilespmem:s29], [sflag:$0x1], $0x80, v4, vm0, $0xb8;
	[tilespmem:$0xC100] =	vst v63  }
0x67: {  	_ = 	snop  }
0x68: {  	[hbm4b:s3+s2] =	stream.indirect_vreg.scatter [tilespmem:s30], [sflag:$0x1], $0x80, v3, vm0, $0xb8;
	[tilespmem:$0xC100] =	vst v63  }
0x69: {  	_ = 	snop  }
0x6a: {  	[hbm4b:s4+s2] =	stream.indirect_vreg.scatter [tilespmem:s31], [sflag:$0x1], $0x80, v3, vm0, $0xb8;
	[tilespmem:$0xC100] =	vst v63  }
0x6b: {  	_ = 	snop  }
0x6c: {  	[hbm4b:s5+s2] =	stream.indirect_vreg.scatter [tilespmem:s0], [sflag:$0x1], $0x80, v3, vm0, $0xb8;
	[tilespmem:$0xC100] =	vst v63  }
0x6d: {  	_ =	swait.ge [sflag:s1], $0xC000  }
0x6e: {  	[sflag:s1] =	ssyncset.done $0x0  }
0x6f: {  	[sflag:s1] =	ssyncadd.s32 $0xFFFF4000  }
0x70: {  	v3 =	vld [tilespmem:$0x80];
	_ =	sdelay $0x4  }
0x71: {  	v60 =	vshrl.u32 v3, $0x3  }
0x72: {  	v4 =	vmul.u32 $0x30, v60  }
0x73: {  	v3 =	vand.u32 $0x7, v3  }
0x74: {  	v3 =	vor.u32 v3, v4  }
0x75: {  	v4 =	vperm.xlane v3, v0;
	_ =	sdelay $0x1  }
0x76: {  	v4 =	vadd.s32 v1, v4;
	_ =	sdelay $0x3  }
0x77: {  	v3 =	vperm.xlane v3, v2  }
0x78: {  	[hbm4b:s3+s2] =	stream.indirect_vreg.scatter [tilespmem:s8], [sflag:$0x1], $0x80, v4, vm0, $0xb8;
	[tilespmem:$0xC100] =	vst v63  }
0x79: {  	v3 =	vadd.s32 v1, v3  }
0x7a: {  	[hbm4b:s4+s2] =	stream.indirect_vreg.scatter [tilespmem:s9], [sflag:$0x1], $0x80, v4, vm0, $0xb8;
	[tilespmem:$0xC100] =	vst v63  }
0x7b: {  	_ = 	snop  }
0x7c: {  	[hbm4b:s5+s2] =	stream.indirect_vreg.scatter [tilespmem:s10], [sflag:$0x1], $0x80, v4, vm0, $0xb8;
	[tilespmem:$0xC100] =	vst v63  }
0x7d: {  	_ = 	snop  }
0x7e: {  	[hbm4b:s3+s2] =	stream.indirect_vreg.scatter [tilespmem:s11], [sflag:$0x1], $0x80, v3, vm0, $0xb8;
	[tilespmem:$0xC100] =	vst v63  }
0x7f: {  	_ = 	snop  }
0x80: {  	[hbm4b:s4+s2] =	stream.indirect_vreg.scatter [tilespmem:s12], [sflag:$0x1], $0x80, v3, vm0, $0xb8;
	[tilespmem:$0xC100] =	vst v63  }
0x81: {  	_ = 	snop  }
0x82: {  	[hbm4b:s5+s2] =	stream.indirect_vreg.scatter [tilespmem:s13], [sflag:$0x1], $0x80, v3, vm0, $0xb8;
	[tilespmem:$0xC100] =	vst v63  }
0x83: {  	v3 =	vld [tilespmem:$0x90];
	_ =	sdelay $0x4  }
0x84: {  	v61 =	vshrl.u32 v3, $0x3  }
0x85: {  	v4 =	vmul.u32 $0x30, v61  }
0x86: {  	v3 =	vand.u32 $0x7, v3  }
0x87: {  	v3 =	vor.u32 v3, v4  }
0x88: {  	v4 =	vperm.xlane v3, v0;
	_ =	sdelay $0x1  }
0x89: {  	v4 =	vadd.s32 v1, v4;
	_ =	sdelay $0x3  }
0x8a: {  	v3 =	vperm.xlane v3, v2  }
0x8b: {  	[hbm4b:s3+s2] =	stream.indirect_vreg.scatter [tilespmem:s14], [sflag:$0x1], $0x80, v4, vm0, $0xb8;
	[tilespmem:$0xC100] =	vst v63  }
0x8c: {  	v3 =	vadd.s32 v1, v3  }
0x8d: {  	[hbm4b:s4+s2] =	stream.indirect_vreg.scatter [tilespmem:s15], [sflag:$0x1], $0x80, v4, vm0, $0xb8;
	[tilespmem:$0xC100] =	vst v63  }
0x8e: {  	_ = 	snop  }
0x8f: {  	[hbm4b:s5+s2] =	stream.indirect_vreg.scatter [tilespmem:s16], [sflag:$0x1], $0x80, v4, vm0, $0xb8;
	[tilespmem:$0xC100] =	vst v63  }
0x90: {  	_ = 	snop  }
0x91: {  	[hbm4b:s3+s2] =	stream.indirect_vreg.scatter [tilespmem:s17], [sflag:$0x1], $0x80, v3, vm0, $0xb8;
	[tilespmem:$0xC100] =	vst v63  }
0x92: {  	_ = 	snop  }
0x93: {  	[hbm4b:s4+s2] =	stream.indirect_vreg.scatter [tilespmem:s18], [sflag:$0x1], $0x80, v3, vm0, $0xb8;
	[tilespmem:$0xC100] =	vst v63  }
0x94: {  	_ = 	snop  }
0x95: {  	[hbm4b:s5+s2] =	stream.indirect_vreg.scatter [tilespmem:s19], [sflag:$0x1], $0x80, v3, vm0, $0xb8;
	[tilespmem:$0xC100] =	vst v63  }
0x96: {  	v3 =	vld [tilespmem:$0xA0];
	_ =	sdelay $0x4  }
0x97: {  	v62 =	vshrl.u32 v3, $0x3  }
0x98: {  	v4 =	vmul.u32 $0x30, v62  }
0x99: {  	v3 =	vand.u32 $0x7, v3  }
0x9a: {  	v3 =	vor.u32 v3, v4  }
0x9b: {  	v4 =	vperm.xlane v3, v0;
	_ =	sdelay $0x1  }
0x9c: {  	v4 =	vadd.s32 v1, v4;
	_ =	sdelay $0x3  }
0x9d: {  	v3 =	vperm.xlane v3, v2  }
0x9e: {  	[hbm4b:s3+s2] =	stream.indirect_vreg.scatter [tilespmem:s20], [sflag:$0x1], $0x80, v4, vm0, $0xb8;
	[tilespmem:$0xC100] =	vst v63  }
0x9f: {  	v3 =	vadd.s32 v1, v3  }
0xa0: {  	[hbm4b:s4+s2] =	stream.indirect_vreg.scatter [tilespmem:s21], [sflag:$0x1], $0x80, v4, vm0, $0xb8;
	[tilespmem:$0xC100] =	vst v63  }
0xa1: {  	_ = 	snop  }
0xa2: {  	[hbm4b:s5+s2] =	stream.indirect_vreg.scatter [tilespmem:s22], [sflag:$0x1], $0x80, v4, vm0, $0xb8;
	[tilespmem:$0xC100] =	vst v63  }
0xa3: {  	_ = 	snop  }
0xa4: {  	[hbm4b:s3+s2] =	stream.indirect_vreg.scatter [tilespmem:s23], [sflag:$0x1], $0x80, v3, vm0, $0xb8;
	[tilespmem:$0xC100] =	vst v63  }
0xa5: {  	_ = 	snop  }
0xa6: {  	[hbm4b:s4+s2] =	stream.indirect_vreg.scatter [tilespmem:s24], [sflag:$0x1], $0x80, v3, vm0, $0xb8;
	[tilespmem:$0xC100] =	vst v63  }
0xa7: {  	_ = 	snop  }
0xa8: {  	[hbm4b:s5+s2] =	stream.indirect_vreg.scatter [tilespmem:s25], [sflag:$0x1], $0x80, v3, vm0, $0xb8;
	[tilespmem:$0xC100] =	vst v63  }
0xa9: {  	v3 =	vld [tilespmem:$0xB0];
	_ =	sdelay $0x4  }
0xaa: {  	v63 =	vshrl.u32 v3, $0x3  }
0xab: {  	v4 =	vmul.u32 $0x30, v63  }
0xac: {  	v3 =	vand.u32 $0x7, v3  }
0xad: {  	v3 =	vor.u32 v3, v4  }
0xae: {  	v4 =	vperm.xlane v3, v0;
	_ =	sdelay $0x1  }
0xaf: {  	v4 =	vadd.s32 v1, v4;
	_ =	sdelay $0x3  }
0xb0: {  	v3 =	vperm.xlane v3, v2  }
0xb1: {  	[hbm4b:s3+s2] =	stream.indirect_vreg.scatter [tilespmem:s26], [sflag:$0x1], $0x80, v4, vm0, $0xb8;
	[tilespmem:$0xC100] =	vst v63  }
0xb2: {  	v3 =	vadd.s32 v1, v3  }
0xb3: {  	[hbm4b:s4+s2] =	stream.indirect_vreg.scatter [tilespmem:s28], [sflag:$0x1], $0x80, v4, vm0, $0xb8;
	[tilespmem:$0xC100] =	vst v63  }
0xb4: {  	_ = 	snop  }
0xb5: {  	[hbm4b:s5+s2] =	stream.indirect_vreg.scatter [tilespmem:s29], [sflag:$0x1], $0x80, v4, vm0, $0xb8;
	[tilespmem:$0xC100] =	vst v63  }
0xb6: {  	_ = 	snop  }
0xb7: {  	[hbm4b:s3+s2] =	stream.indirect_vreg.scatter [tilespmem:s30], [sflag:$0x1], $0x80, v3, vm0, $0xb8;
	[tilespmem:$0xC100] =	vst v63  }
0xb8: {  	p0 =	sne.s32 s6, $0x1  }
0xb9: {  	[hbm4b:s4+s2] =	stream.indirect_vreg.scatter [tilespmem:s31], [sflag:$0x1], $0x80, v3, vm0, $0xb8;
	[tilespmem:$0xC100] =	vst v63  }
.Ltmp0:
0xba: {  	_ = 	snop;
	(pc) =	sbr.rel @p0 .LBB2_1-.Ltmp0, $4  }
0xbb: {  	[hbm4b:s5+s2] =	stream.indirect_vreg.scatter [tilespmem:s0], [sflag:$0x1], $0x80, v3, vm0, $0xb8;
	[tilespmem:$0xC100] =	vst v63  }
0xbc: {  	_ =	swait.ge [sflag:s1], $0xC000  }
0xbd: {  	[sflag:s1] =	ssyncset.done $0x0  }
0xbe: {  	s6 =	sadd.s32 $0xFFFFFFFF, s6;
	[sflag:s1] =	ssyncadd.s32 $0xFFFF4000  }
0xbf: {  	_ =	sfence.sel $0x180000  }
0xc0: {  	[bflag:$0x0] =	sbarrier.arrive $0xFFFF  }
0xc1: {  	_ =	strace $0x90000047  }
0xc2: {  	s0 =	stileid.u32;
	[bflag:$0x2] =	sbarrier.arrive $0xFFFF  }
0xc3: {  	p0 =	sne.s32 s0, $0x0;
	s0 =	rddreg [dreg:$0x2]  }
0xc4: {  	s0 =	sadd.s32 @!p0 $0x100000, s0  }
0xc5: {  	[sflag:s0] =	ssyncadd.tile.s32 @!p0 $0x1;
	_ =	shalt  }
.Lfunc_end2:
_tile_overlayer_lowered:
.L_overlay_start_2:
0xc6: {  	(tag) =	ssettag $0x2  }
0xc7: {  	s0 =	rddreg [dreg:$0x0];
	s2 =	stileid.u32  }
0xc8: {  	s1 =	rddreg [dreg:$0x1];
	p0 =	sne.s32 s2, $0x0  }
0xc9: {  	s3 =	rddreg [dreg:$0x2];
	[bflag:$0x3] =	sbarrier.arrive $0xFFFF;
	s2 =	simm.s32 @!p0 $0x1C02  }
0xca: {  	[timem:s3], [sflag:s2] =	dma.local @!p0 [hbm:s0], s1  }
0xcb: {  	s0 =	simm.s32 @!p0 $0x2  }
0xcc: {  	_ =	swait.ge @!p0 [sflag:s0], s1  }
0xcd: {  	s1 =	ssub.s32 @!p0 $0x0, s1;
	[sflag:s0] =	ssyncset.done @!p0 $0x0  }
0xce: {  	[sflag:s0] =	ssyncadd.s32 @!p0 s1  }
0xcf: {  	[bflag:$0x3] =	sbarrier.arrive $0xFFFF  }
0xd0: {  	_ =	shalt  }

</sc_bundles>
